<compile_context>
chip_gen: v7x
topology: tpu7x:2x2x1
jax: 0.10.2.dev20260603
libtpu: 0.0.44.dev20260713+nightly
codegen_flags: <defaults>
</compile_context>

<pallas_src>
import functools

import jax
import jax.numpy as jnp
from jax import lax
from jax.experimental import pallas as pl
from jax.experimental.pallas import tpu as pltpu
from jax.experimental.pallas import tpu_sc as plsc

B, N, C = 16, 1024, 384
K = 512
ICH = 512
IC = N // ICH
NC, NS = 2, 16
NW = NC * NS
ROWS = B * K
RPW = ROWS // NW
CH = 128
NCH = RPW // CH


def _argmin_body(a_ref, c_ref, minv_ref, am_ref, b2_scr):
    mc = pl.program_id(1)

    @pl.when(mc == 0)
    def _():
        cc = c_ref[0]
        b2_scr[0, :] = jnp.sum(cc * cc, axis=1)

    @pl.when(mc == 1)
    def _():
        a = a_ref[0]
        cc = c_ref[0]
        dot = lax.dot_general(a, cc, (((1,), (1,)), ((), ())),
                              preferred_element_type=jnp.float32)
        a2 = jnp.sum(a * a, axis=1, keepdims=True)
        b2r = b2_scr[0, :]
        d2 = a2 + b2r[None, :] - 2.0 * dot
        sc = jnp.sqrt(jnp.maximum(d2, 0.0))
        mloc = jnp.min(sc, axis=1, keepdims=True)
        giota = lax.broadcasted_iota(jnp.int32, (N, N), 1)
        am = jnp.min(jnp.where(sc == mloc, giota, N), axis=1, keepdims=True)
        minv_ref[0] = mloc
        am_ref[0] = am


_argmin = pl.pallas_call(
    _argmin_body,
    grid=(B, 2),
    in_specs=[
        pl.BlockSpec((1, N, C), lambda b, mc: (b, 0, 0)),
        pl.BlockSpec((1, N, C), lambda b, mc: (b, 0, 0)),
    ],
    out_specs=[
        pl.BlockSpec((1, N, 1), lambda b, mc: (b, 0, 0)),
        pl.BlockSpec((1, N, 1), lambda b, mc: (b, 0, 0)),
    ],
    out_shape=[
        jax.ShapeDtypeStruct((B, N, 1), jnp.float32),
        jax.ShapeDtypeStruct((B, N, 1), jnp.int32),
    ],
    scratch_shapes=[pltpu.VMEM((1, N), jnp.float32)],
)


def _select_body(vrow_ref, vcol_ref, amrow_ref, gidx_ref):
    b = pl.program_id(0)
    vrow = vrow_ref[0, 0]
    vcol = vcol_ref[0]
    g0 = lax.broadcasted_iota(jnp.int32, (N, N), 0)
    g1 = lax.broadcasted_iota(jnp.int32, (N, N), 1)
    less = (vrow[None, :] < vcol) | ((vrow[None, :] == vcol) & (g1 < g0))
    rank_col = jnp.sum(less.astype(jnp.int32), axis=1, keepdims=True)
    keep_col = rank_col < K
    slot_row = jnp.sum((keep_col & (g0 < g1)).astype(jnp.int32), axis=0)
    slot_next = jnp.concatenate([slot_row[1:], jnp.full((1,), K, jnp.int32)])
    kept_row = slot_next > slot_row
    s_col = lax.broadcasted_iota(jnp.int32, (K, N), 0)
    hit = kept_row[None, :] & (slot_row[None, :] == s_col)
    am_f = amrow_ref[0, 0].astype(jnp.float32)
    g = jnp.sum(jnp.where(hit, am_f[None, :], 0.0), axis=1)
    gidx_ref[0] = g.astype(jnp.int32)[:, None] + b * N


_select = pl.pallas_call(
    _select_body,
    grid=(B,),
    in_specs=[
        pl.BlockSpec((1, 1, N), lambda b: (b, 0, 0)),
        pl.BlockSpec((1, N, 1), lambda b: (b, 0, 0)),
        pl.BlockSpec((1, 1, N), lambda b: (b, 0, 0)),
    ],
    out_specs=pl.BlockSpec((1, K, 1), lambda b: (b, 0, 0)),
    out_shape=jax.ShapeDtypeStruct((B, K, 1), jnp.int32),
)


def _gather_body(idx_hbm, table_hbm, out_hbm, idx_v, rows_v, sem):
    wid = lax.axis_index("s") * NC + lax.axis_index("c")
    pltpu.sync_copy(idx_hbm.at[wid], idx_v)
    copies = [
        pltpu.async_copy(table_hbm.at[idx_v.at[j]],
                         rows_v.at[pl.ds(j * CH, CH)], sem)
        for j in range(NCH)
    ]
    for cp in copies:
        cp.wait()
    pltpu.sync_copy(rows_v, out_hbm.at[pl.ds(wid * RPW, RPW)])


@functools.cache
def _gather():
    return functools.partial(
        pl.kernel,
        mesh=plsc.VectorSubcoreMesh(core_axis_name="c", subcore_axis_name="s"),
        out_type=jax.ShapeDtypeStruct((ROWS, C), jnp.float32),
        scratch_types=[
            pltpu.VMEM((NCH, CH), jnp.int32),
            pltpu.VMEM((RPW, C), jnp.float32),
            pltpu.SemaphoreType.DMA,
        ],
    )(_gather_body)


def kernel(input_maps, candidate_maps, num_matches):
    minv_col, am_col = _argmin(input_maps, candidate_maps)
    minv_row = minv_col.reshape(B, 1, N)
    am_row = am_col.reshape(B, 1, N)
    gidx = _select(minv_row, minv_col, am_row)
    idx = gidx.reshape(NW, NCH, CH)
    table = candidate_maps.reshape(B * N, C)
    rows = _gather()(idx, table)
    del num_matches
    return rows.reshape(B, K, C)

# --- scband reference (transcript-rebuilt; emitter-appended) ---
"""Pipeline reference for scband-ref-rectify-net-14705968022081 (READ-ONLY COPY).

The authoritative reference and input builder live on the scoring server;
editing this copy changes nothing except your own understanding.
"""

import jax, jax.numpy as jnp
import numpy as np


def _cdist(a, b):
    # torch.cdist with p=2 (Euclidean), computed via the stable quadratic expansion
    a2 = jnp.sum(a * a, axis=-1, keepdims=True)          # (B, N, 1)
    b2 = jnp.sum(b * b, axis=-1, keepdims=True)          # (B, M, 1)
    d2 = a2 + jnp.swapaxes(b2, -1, -2) - 2.0 * jnp.einsum('bnc,bmc->bnm', a, b)
    return jnp.sqrt(jnp.maximum(d2, 0.0))


def setup_inputs(seed: int = 0) -> dict:
    key = jax.random.key(seed)
    k1, k2 = jax.random.split(key)
    B, N, C = 16, 1024, 384
    return {
        "input_maps": jax.random.normal(k1, (B, N, C), dtype=jnp.float32),
        "candidate_maps": jax.random.normal(k2, (B, N, C), dtype=jnp.float32),
        "num_matches": 512,
    }


def reference(input_maps, candidate_maps, num_matches):
    # neirest_neighbores_on_l2 from the torch module
    distances = _cdist(input_maps, candidate_maps)          # (B, N, M)
    # distances.topk(k=1, largest=False) -> per-query nearest candidate
    topk_values = jnp.min(distances, axis=-1)               # (B, N)
    topk_indices = jnp.argmin(distances, axis=-1)           # (B, N) int
    # sorted_values_indices: order of query positions by nearest-distance
    sorted_values_indices = jnp.argsort(topk_values, axis=1)  # (B, N)
    # mask keeps positions whose rank < num_matches; masked_select preserves
    # original position order, i.e. the num_matches best positions sorted by position
    num_matches_static = 512
    rank_mask = jnp.arange(num_matches_static) < num_matches
    keep_positions = jnp.sort(sorted_values_indices[:, :num_matches_static], axis=1)  # (B, num_matches)
    topk_indices_selected = jnp.take_along_axis(topk_indices, keep_positions, axis=1)  # (B, num_matches)
    # batched_index_select(candidate_maps, dim=1, index=topk_indices_selected)
    B, M, C = candidate_maps.shape
    idx = jnp.broadcast_to(topk_indices_selected[:, :, None], (B, num_matches_static, C))
    filtered_candidate_maps = jnp.take_along_axis(candidate_maps, idx, axis=1)
    filtered_candidate_maps = jnp.where(rank_mask[None, :, None], filtered_candidate_maps, 0.0)
    return filtered_candidate_maps

if __name__ == "__main__":
    import jax
    _d = setup_inputs()
    print(jax.jit(kernel)(*tuple(_d.values())))

</pallas_src>

<mosaic_0001>
#map = affine_map<(d0, d1) -> (0, 0, 0)>
#map1 = affine_map<(d0, d1) -> (0, 0)>
module attributes {stable_mosaic.version = 14 : i64} {
  func.func @_gather_body(%arg0: i32, %arg1: i32, %arg2: memref<32x2x128xi32, #tpu.memory_space<hbm>>, %arg3: memref<16384x384xf32, #tpu.memory_space<hbm>>, %arg4: memref<8192x384xf32, #tpu.memory_space<hbm>>, %arg5: memref<2x128xi32, #tpu.memory_space<vmem>>, %arg6: memref<256x384xf32, #tpu.memory_space<vmem>>, %arg7: memref<!tpu.dma_semaphore, #tpu.memory_space<semaphore_mem>>) attributes {dimension_semantics = [#tpu.dimension_semantics<core_parallel>, #tpu.dimension_semantics<subcore_parallel>], iteration_bounds = array<i64: 2, 16>, scalar_prefetch = 0 : i64, scratch_operands = 3 : i64, tpu.core_type = #tpu.core_type<sc_vector_subcore>, window_params = [{transform_indices = #map}, {transform_indices = #map1}, {transform_indices = #map1}]} {
    %mul3A = arith.constant 2 : i32
    %mul3A_0 = arith.muli %arg1, %mul3A : i32
    %add3A = arith.addi %mul3A_0, %arg0 : i32
    "tpu.region"() ({
      %run_scoped3A = tpu.sem_alloc : memref<!tpu.dma_semaphore, #tpu.memory_space<semaphore_mem>>
      %dma_start3A_41 = arith.constant 0 : i32
      %dma_start3A_42 = arith.constant 0 : i32
      %dma_start3A_43 = tpu.memref_slice %arg2[%add3A, %dma_start3A_41, %dma_start3A_42] : memref<32x2x128xi32, #tpu.memory_space<hbm>> -> memref<1x2x128xi32, #tpu.memory_space<hbm>>
      %dma_start3A_44 = tpu.memref_squeeze %dma_start3A_43 : memref<1x2x128xi32, #tpu.memory_space<hbm>> -> memref<2x128xi32, #tpu.memory_space<hbm>>
      %dma_start3A_45 = arith.constant 0 : i32
      %dma_start3A_46 = arith.constant 0 : i32
      %dma_start3A_47 = tpu.memref_slice %arg2[%add3A, %dma_start3A_45, %dma_start3A_46] : memref<32x2x128xi32, #tpu.memory_space<hbm>> -> memref<1x2x128xi32, #tpu.memory_space<hbm>>
      %dma_start3A_48 = tpu.memref_squeeze %dma_start3A_47 : memref<1x2x128xi32, #tpu.memory_space<hbm>> -> memref<2x128xi32, #tpu.memory_space<hbm>>
      tpu.enqueue_dma source(%dma_start3A_48 : memref<2x128xi32, #tpu.memory_space<hbm>>) target(%arg5 : memref<2x128xi32, #tpu.memory_space<vmem>>) target_semaphore(%run_scoped3A : memref<!tpu.dma_semaphore, #tpu.memory_space<semaphore_mem>>)
      %dma_wait3A_49 = arith.constant 0 : i32
      %dma_wait3A_50 = arith.constant 0 : i32
      %dma_wait3A_51 = tpu.memref_slice %arg2[%add3A, %dma_wait3A_49, %dma_wait3A_50] : memref<32x2x128xi32, #tpu.memory_space<hbm>> -> memref<1x2x128xi32, #tpu.memory_space<hbm>>
      %dma_wait3A_52 = tpu.memref_squeeze %dma_wait3A_51 : memref<1x2x128xi32, #tpu.memory_space<hbm>> -> memref<2x128xi32, #tpu.memory_space<hbm>>
      %dma_wait3A_53 = arith.constant 0 : i32
      %dma_wait3A_54 = arith.constant 0 : i32
      %dma_wait3A_55 = tpu.memref_slice %arg2[%add3A, %dma_wait3A_53, %dma_wait3A_54] : memref<32x2x128xi32, #tpu.memory_space<hbm>> -> memref<1x2x128xi32, #tpu.memory_space<hbm>>
      %dma_wait3A_56 = tpu.memref_squeeze %dma_wait3A_55 : memref<1x2x128xi32, #tpu.memory_space<hbm>> -> memref<2x128xi32, #tpu.memory_space<hbm>>
      tpu.wait_dma2 semaphore(%run_scoped3A : memref<!tpu.dma_semaphore, #tpu.memory_space<semaphore_mem>>) src(%dma_wait3A_56 : memref<2x128xi32, #tpu.memory_space<hbm>>) dst(%arg5 : memref<2x128xi32, #tpu.memory_space<vmem>>)
      tpu.yield
    }) : () -> ()
    %dma_start3A = arith.constant 0 : i32
    %dma_start3A_1 = arith.constant 0 : i32
    %dma_start3A_2 = arith.constant 0 : i32
    %dma_start3A_3 = tpu.memref_slice %arg6[%dma_start3A_1, %dma_start3A_2] : memref<256x384xf32, #tpu.memory_space<vmem>> -> memref<128x384xf32, #tpu.memory_space<vmem>>
    %dma_start3A_4 = arith.constant 0 : i32
    %dma_start3A_5 = tpu.memref_slice %arg5[%dma_start3A, %dma_start3A_4] : memref<2x128xi32, #tpu.memory_space<vmem>> -> memref<1x128xi32, #tpu.memory_space<vmem>>
    %dma_start3A_6 = tpu.memref_squeeze %dma_start3A_5 : memref<1x128xi32, #tpu.memory_space<vmem>> -> memref<128xi32, #tpu.memory_space<vmem>>
    %dma_start3A_7 = arith.constant 0 : i32
    %dma_start3A_8 = arith.constant 0 : i32
    %dma_start3A_9 = tpu.memref_slice %arg3[%dma_start3A_7, %dma_start3A_8] : memref<16384x384xf32, #tpu.memory_space<hbm>> -> memref<16384x384xf32, #tpu.memory_space<hbm>>
    tpu.enqueue_indirect_dma source(%dma_start3A_9 : memref<16384x384xf32, #tpu.memory_space<hbm>>) target(%dma_start3A_3 : memref<128x384xf32, #tpu.memory_space<vmem>>) offsets(%dma_start3A_6 : memref<128xi32, #tpu.memory_space<vmem>>) semaphore(%arg7 : memref<!tpu.dma_semaphore, #tpu.memory_space<semaphore_mem>>)
    %dma_start3A_10 = arith.constant 1 : i32
    %dma_start3A_11 = arith.constant 128 : i32
    %dma_start3A_12 = arith.constant 0 : i32
    %dma_start3A_13 = tpu.memref_slice %arg6[%dma_start3A_11, %dma_start3A_12] : memref<256x384xf32, #tpu.memory_space<vmem>> -> memref<128x384xf32, #tpu.memory_space<vmem>>
    %dma_start3A_14 = arith.constant 0 : i32
    %dma_start3A_15 = tpu.memref_slice %arg5[%dma_start3A_10, %dma_start3A_14] : memref<2x128xi32, #tpu.memory_space<vmem>> -> memref<1x128xi32, #tpu.memory_space<vmem>>
    %dma_start3A_16 = tpu.memref_squeeze %dma_start3A_15 : memref<1x128xi32, #tpu.memory_space<vmem>> -> memref<128xi32, #tpu.memory_space<vmem>>
    %dma_start3A_17 = arith.constant 0 : i32
    %dma_start3A_18 = arith.constant 0 : i32
    %dma_start3A_19 = tpu.memref_slice %arg3[%dma_start3A_17, %dma_start3A_18] : memref<16384x384xf32, #tpu.memory_space<hbm>> -> memref<16384x384xf32, #tpu.memory_space<hbm>>
    tpu.enqueue_indirect_dma source(%dma_start3A_19 : memref<16384x384xf32, #tpu.memory_space<hbm>>) target(%dma_start3A_13 : memref<128x384xf32, #tpu.memory_space<vmem>>) offsets(%dma_start3A_16 : memref<128xi32, #tpu.memory_space<vmem>>) semaphore(%arg7 : memref<!tpu.dma_semaphore, #tpu.memory_space<semaphore_mem>>)
    %dma_wait3A = arith.constant 0 : i32
    %dma_wait3A_20 = arith.constant 0 : i32
    %dma_wait3A_21 = arith.constant 0 : i32
    %dma_wait3A_22 = tpu.memref_slice %arg6[%dma_wait3A_20, %dma_wait3A_21] : memref<256x384xf32, #tpu.memory_space<vmem>> -> memref<128x384xf32, #tpu.memory_space<vmem>>
    %dma_wait3A_23 = arith.constant 0 : i32
    %dma_wait3A_24 = tpu.memref_slice %arg5[%dma_wait3A, %dma_wait3A_23] : memref<2x128xi32, #tpu.memory_space<vmem>> -> memref<1x128xi32, #tpu.memory_space<vmem>>
    %dma_wait3A_25 = tpu.memref_squeeze %dma_wait3A_24 : memref<1x128xi32, #tpu.memory_space<vmem>> -> memref<128xi32, #tpu.memory_space<vmem>>
    %dma_wait3A_26 = arith.constant 0 : i32
    %dma_wait3A_27 = arith.constant 0 : i32
    %dma_wait3A_28 = tpu.memref_slice %arg3[%dma_wait3A_26, %dma_wait3A_27] : memref<16384x384xf32, #tpu.memory_space<hbm>> -> memref<16384x384xf32, #tpu.memory_space<hbm>>
    tpu.wait_indirect_dma semaphore(%arg7 : memref<!tpu.dma_semaphore, #tpu.memory_space<semaphore_mem>>) src(%dma_wait3A_28 : memref<16384x384xf32, #tpu.memory_space<hbm>>) dst(%dma_wait3A_22 : memref<128x384xf32, #tpu.memory_space<vmem>>)
    %dma_wait3A_29 = arith.constant 1 : i32
    %dma_wait3A_30 = arith.constant 128 : i32
    %dma_wait3A_31 = arith.constant 0 : i32
    %dma_wait3A_32 = tpu.memref_slice %arg6[%dma_wait3A_30, %dma_wait3A_31] : memref<256x384xf32, #tpu.memory_space<vmem>> -> memref<128x384xf32, #tpu.memory_space<vmem>>
    %dma_wait3A_33 = arith.constant 0 : i32
    %dma_wait3A_34 = tpu.memref_slice %arg5[%dma_wait3A_29, %dma_wait3A_33] : memref<2x128xi32, #tpu.memory_space<vmem>> -> memref<1x128xi32, #tpu.memory_space<vmem>>
    %dma_wait3A_35 = tpu.memref_squeeze %dma_wait3A_34 : memref<1x128xi32, #tpu.memory_space<vmem>> -> memref<128xi32, #tpu.memory_space<vmem>>
    %dma_wait3A_36 = arith.constant 0 : i32
    %dma_wait3A_37 = arith.constant 0 : i32
    %dma_wait3A_38 = tpu.memref_slice %arg3[%dma_wait3A_36, %dma_wait3A_37] : memref<16384x384xf32, #tpu.memory_space<hbm>> -> memref<16384x384xf32, #tpu.memory_space<hbm>>
    tpu.wait_indirect_dma semaphore(%arg7 : memref<!tpu.dma_semaphore, #tpu.memory_space<semaphore_mem>>) src(%dma_wait3A_38 : memref<16384x384xf32, #tpu.memory_space<hbm>>) dst(%dma_wait3A_32 : memref<128x384xf32, #tpu.memory_space<vmem>>)
    %mul3A_39 = arith.constant 256 : i32
    %mul3A_40 = arith.muli %add3A, %mul3A_39 : i32
    "tpu.region"() ({
      %run_scoped3A = tpu.sem_alloc : memref<!tpu.dma_semaphore, #tpu.memory_space<semaphore_mem>>
      %dma_start3A_41 = arith.constant 0 : i32
      %dma_start3A_42 = tpu.memref_slice %arg4[%mul3A_40, %dma_start3A_41] : memref<8192x384xf32, #tpu.memory_space<hbm>> -> memref<256x384xf32, #tpu.memory_space<hbm>>
      %dma_start3A_43 = arith.constant 0 : i32
      %dma_start3A_44 = tpu.memref_slice %arg4[%mul3A_40, %dma_start3A_43] : memref<8192x384xf32, #tpu.memory_space<hbm>> -> memref<256x384xf32, #tpu.memory_space<hbm>>
      tpu.enqueue_dma source(%arg6 : memref<256x384xf32, #tpu.memory_space<vmem>>) target(%dma_start3A_44 : memref<256x384xf32, #tpu.memory_space<hbm>>) target_semaphore(%run_scoped3A : memref<!tpu.dma_semaphore, #tpu.memory_space<semaphore_mem>>)
      %dma_wait3A_45 = arith.constant 0 : i32
      %dma_wait3A_46 = tpu.memref_slice %arg4[%mul3A_40, %dma_wait3A_45] : memref<8192x384xf32, #tpu.memory_space<hbm>> -> memref<256x384xf32, #tpu.memory_space<hbm>>
      %dma_wait3A_47 = arith.constant 0 : i32
      %dma_wait3A_48 = tpu.memref_slice %arg4[%mul3A_40, %dma_wait3A_47] : memref<8192x384xf32, #tpu.memory_space<hbm>> -> memref<256x384xf32, #tpu.memory_space<hbm>>
      tpu.wait_dma2 semaphore(%run_scoped3A : memref<!tpu.dma_semaphore, #tpu.memory_space<semaphore_mem>>) src(%arg6 : memref<256x384xf32, #tpu.memory_space<vmem>>) dst(%dma_wait3A_48 : memref<256x384xf32, #tpu.memory_space<hbm>>)
      tpu.yield
    }) : () -> ()
    return
  }
}

module attributes {stable_mosaic.version = 14 : i64} {
  func.func @_argmin_body(%arg0: i32, %arg1: i32, %arg2: memref<1x1024x384xf32, #tpu.memory_space<vmem>>, %arg3: memref<1x1024x384xf32, #tpu.memory_space<vmem>>, %arg4: memref<1x1024x1xf32, #tpu.memory_space<vmem>>, %arg5: memref<1x1024x1xi32, #tpu.memory_space<vmem>>, %arg6: memref<1x1024xf32, #tpu.memory_space<vmem>>) attributes {dimension_semantics = [#tpu.dimension_semantics<arbitrary>, #tpu.dimension_semantics<arbitrary>], iteration_bounds = array<i64: 16, 2>, scalar_prefetch = 0 : i64, scratch_operands = 1 : i64, tpu.core_type = #tpu.core_type<tc>, window_params = [{transform_indices = @transform_0, window_bounds = array<i64: 1, 1024, 384>}, {transform_indices = @transform_1, window_bounds = array<i64: 1, 1024, 384>}, {transform_indices = @transform_2, window_bounds = array<i64: 1, 1024, 1>}, {transform_indices = @transform_3, window_bounds = array<i64: 1, 1024, 1>}]} {
    %eq3A = arith.constant 0 : i32
    %eq3A_0 = arith.cmpi eq, %arg1, %eq3A : i32
    %convert_element_type3A = arith.extui %eq3A_0 : i1 to i32
    %cond3A = arith.constant 0 : i32
    %cond3A_1 = arith.cmpi ne, %convert_element_type3A, %cond3A : i32
    scf.if %cond3A_1 {
      %get3A = arith.constant 0 : index
      %get3A_7 = arith.constant 0 : index
      %get3A_8 = arith.constant 0 : index
      %get3A_9 = vector.load %arg3[%get3A, %get3A_7, %get3A_8] : memref<1x1024x384xf32, #tpu.memory_space<vmem>>, vector<1x1024x384xf32>
      %get3A_10 = vector.shape_cast %get3A_9 : vector<1x1024x384xf32> to vector<1024x384xf32>
      %mul3A = arith.mulf %get3A_10, %get3A_10 : vector<1024x384xf32>
      %reduce_sum3A = arith.constant dense<0.000000e+00> : vector<1024xf32>
      %reduce_sum3A_11 = vector.multi_reduction <add>, %mul3A, %reduce_sum3A [1] : vector<1024x384xf32> to vector<1024xf32>
      %swap3A = arith.constant 0 : index
      %swap3A_12 = arith.constant 0 : index
      %swap3A_13 = vector.load %arg6[%swap3A, %swap3A_12] : memref<1x1024xf32, #tpu.memory_space<vmem>>, vector<1x1024xf32>
      %swap3A_14 = vector.shape_cast %swap3A_13 : vector<1x1024xf32> to vector<1024xf32>
      %swap3A_15 = vector.shape_cast %reduce_sum3A_11 : vector<1024xf32> to vector<1x1024xf32>
      tpu.vector_store %arg6[%swap3A, %swap3A_12], %swap3A_15 {strides = array<i32>} : memref<1x1024xf32, #tpu.memory_space<vmem>>, vector<1x1024xf32>,
    } else {
    }
    %eq3A_2 = arith.constant 1 : i32
    %eq3A_3 = arith.cmpi eq, %arg1, %eq3A_2 : i32
    %convert_element_type3A_4 = arith.extui %eq3A_3 : i1 to i32
    %cond3A_5 = arith.constant 0 : i32
    %cond3A_6 = arith.cmpi ne, %convert_element_type3A_4, %cond3A_5 : i32
    scf.if %cond3A_6 {
      %get3A = arith.constant 0 : index
      %get3A_7 = arith.constant 0 : index
      %get3A_8 = arith.constant 0 : index
      %get3A_9 = vector.load %arg2[%get3A, %get3A_7, %get3A_8] : memref<1x1024x384xf32, #tpu.memory_space<vmem>>, vector<1x1024x384xf32>
      %get3A_10 = vector.shape_cast %get3A_9 : vector<1x1024x384xf32> to vector<1024x384xf32>
      %get3A_11 = arith.constant 0 : index
      %get3A_12 = arith.constant 0 : index
      %get3A_13 = arith.constant 0 : index
      %get3A_14 = vector.load %arg3[%get3A_11, %get3A_12, %get3A_13] : memref<1x1024x384xf32, #tpu.memory_space<vmem>>, vector<1x1024x384xf32>
      %get3A_15 = vector.shape_cast %get3A_14 : vector<1x1024x384xf32> to vector<1024x384xf32>
      %dot_general3A = arith.constant dense<0.000000e+00> : vector<1024x1024xf32>
      %dot_general3A_16 = tpu.matmul %get3A_10, %get3A_15, %dot_general3A {dimension_numbers = #tpu.dot_dimension_numbers<[1], [1], [0], [0], [0, 0, 1, 0], [], []>, transpose_lhs_hint = false} : vector<1024x384xf32>, vector<1024x384xf32>, vector<1024x1024xf32> -> vector<1024x1024xf32>
      %mul3A = arith.mulf %get3A_10, %get3A_10 : vector<1024x384xf32>
      %reduce_sum3A = arith.constant dense<0.000000e+00> : vector<1024xf32>
      %reduce_sum3A_17 = vector.multi_reduction <add>, %mul3A, %reduce_sum3A [1] : vector<1024x384xf32> to vector<1024xf32>
      %broadcast_in_dim3A = vector.shape_cast %reduce_sum3A_17 : vector<1024xf32> to vector<1024x1xf32>
      %get3A_18 = arith.constant 0 : index
      %get3A_19 = arith.constant 0 : index
      %get3A_20 = vector.load %arg6[%get3A_18, %get3A_19] : memref<1x1024xf32, #tpu.memory_space<vmem>>, vector<1x1024xf32>
      %get3A_21 = vector.shape_cast %get3A_20 : vector<1x1024xf32> to vector<1024xf32>
      %broadcast_in_dim3A_22 = vector.shape_cast %get3A_21 : vector<1024xf32> to vector<1x1024xf32>
      %add3A = vector.broadcast %broadcast_in_dim3A : vector<1024x1xf32> to vector<1024x1024xf32>
      %add3A_23 = vector.broadcast %broadcast_in_dim3A_22 : vector<1x1024xf32> to vector<1024x1024xf32>
      %add3A_24 = arith.addf %add3A, %add3A_23 : vector<1024x1024xf32>
      %mul3A_25 = arith.constant 2.000000e+00 : f32
      %mul3A_26 = vector.broadcast %mul3A_25 : f32 to vector<1024x1024xf32>
      %mul3A_27 = arith.mulf %mul3A_26, %dot_general3A_16 : vector<1024x1024xf32>
      %sub3A = arith.subf %add3A_24, %mul3A_27 : vector<1024x1024xf32>
      %max3A = arith.constant 0.000000e+00 : f32
      %max3A_28 = vector.broadcast %max3A : f32 to vector<1024x1024xf32>
      %max3A_29 = arith.maximumf %sub3A, %max3A_28 : vector<1024x1024xf32>
      %sqrt3A = math.sqrt %max3A_29 : vector<1024x1024xf32>
      %reduce_min3A = arith.constant dense<0x7F800000> : vector<1024xf32>
      %reduce_min3A_30 = vector.multi_reduction <minimumf>, %sqrt3A, %reduce_min3A [1] : vector<1024x1024xf32> to vector<1024xf32>
      %broadcast_in_dim3A_31 = vector.shape_cast %reduce_min3A_30 : vector<1024xf32> to vector<1024x1xf32>
      %iota3A = tpu.iota {dimensions = array<i32: 1>} : vector<1024x1024xi32>
      %eq3A_32 = vector.broadcast %broadcast_in_dim3A_31 : vector<1024x1xf32> to vector<1024x1024xf32>
      %eq3A_33 = arith.cmpf oeq, %sqrt3A, %eq3A_32 : vector<1024x1024xf32>
      %jit3A = arith.constant 1024 : i32
      %broadcast_in_dim3A_34 = vector.broadcast %jit3A : i32 to vector<1024x1024xi32>
      %select_n3A = arith.select %eq3A_33, %iota3A, %broadcast_in_dim3A_34 : vector<1024x1024xi1>, vector<1024x1024xi32>
      %reduce_min3A_35 = arith.constant dense<2147483647> : vector<1024xi32>
      %reduce_min3A_36 = vector.multi_reduction <minsi>, %select_n3A, %reduce_min3A_35 [1] : vector<1024x1024xi32> to vector<1024xi32>
      %broadcast_in_dim3A_37 = vector.shape_cast %reduce_min3A_36 : vector<1024xi32> to vector<1024x1xi32>
      %swap3A = arith.constant 0 : index
      %swap3A_38 = arith.constant 0 : index
      %swap3A_39 = arith.constant 0 : index
      %swap3A_40 = vector.load %arg4[%swap3A, %swap3A_38, %swap3A_39] : memref<1x1024x1xf32, #tpu.memory_space<vmem>>, vector<1x1024x1xf32>
      %swap3A_41 = vector.shape_cast %swap3A_40 : vector<1x1024x1xf32> to vector<1024x1xf32>
      %swap3A_42 = vector.shape_cast %broadcast_in_dim3A_31 : vector<1024x1xf32> to vector<1x1024x1xf32>
      tpu.vector_store %arg4[%swap3A, %swap3A_38, %swap3A_39], %swap3A_42 {strides = array<i32>} : memref<1x1024x1xf32, #tpu.memory_space<vmem>>, vector<1x1024x1xf32>,
      %swap3A_43 = arith.constant 0 : index
      %swap3A_44 = arith.constant 0 : index
      %swap3A_45 = arith.constant 0 : index
      %swap3A_46 = vector.load %arg5[%swap3A_43, %swap3A_44, %swap3A_45] : memref<1x1024x1xi32, #tpu.memory_space<vmem>>, vector<1x1024x1xi32>
      %swap3A_47 = vector.shape_cast %swap3A_46 : vector<1x1024x1xi32> to vector<1024x1xi32>
      %swap3A_48 = vector.shape_cast %broadcast_in_dim3A_37 : vector<1024x1xi32> to vector<1x1024x1xi32>
      tpu.vector_store %arg5[%swap3A_43, %swap3A_44, %swap3A_45], %swap3A_48 {strides = array<i32>} : memref<1x1024x1xi32, #tpu.memory_space<vmem>>, vector<1x1024x1xi32>,
    } else {
    }
    return
  }
  func.func @transform_0(%arg0: i32, %arg1: i32) -> (i32, i32, i32) {
    %c0_i32 = arith.constant 0 : i32
    %c0_i32_0 = arith.constant 0 : i32
    %c0_i32_1 = arith.constant 0 : i32
    return %arg0, %c0_i32, %c0_i32_0 : i32, i32, i32
  }
  func.func @transform_1(%arg0: i32, %arg1: i32) -> (i32, i32, i32) {
    %c0_i32 = arith.constant 0 : i32
    %c0_i32_0 = arith.constant 0 : i32
    %c0_i32_1 = arith.constant 0 : i32
    return %arg0, %c0_i32, %c0_i32_0 : i32, i32, i32
  }
  func.func @transform_2(%arg0: i32, %arg1: i32) -> (i32, i32, i32) {
    %c0_i32 = arith.constant 0 : i32
    %c0_i32_0 = arith.constant 0 : i32
    %c0_i32_1 = arith.constant 0 : i32
    return %arg0, %c0_i32, %c0_i32_0 : i32, i32, i32
  }
  func.func @transform_3(%arg0: i32, %arg1: i32) -> (i32, i32, i32) {
    %c0_i32 = arith.constant 0 : i32
    %c0_i32_0 = arith.constant 0 : i32
    %c0_i32_1 = arith.constant 0 : i32
    return %arg0, %c0_i32, %c0_i32_0 : i32, i32, i32
  }
}

module attributes {stable_mosaic.version = 14 : i64} {
  func.func @_select_body(%arg0: i32, %arg1: memref<1x1x1024xf32, #tpu.memory_space<vmem>>, %arg2: memref<1x1024x1xf32, #tpu.memory_space<vmem>>, %arg3: memref<1x1x1024xi32, #tpu.memory_space<vmem>>, %arg4: memref<1x512x1xi32, #tpu.memory_space<vmem>>) attributes {dimension_semantics = [#tpu.dimension_semantics<arbitrary>], iteration_bounds = array<i64: 16>, scalar_prefetch = 0 : i64, scratch_operands = 0 : i64, tpu.core_type = #tpu.core_type<tc>, window_params = [{transform_indices = @transform_0, window_bounds = array<i64: 1, 1, 1024>}, {transform_indices = @transform_1, window_bounds = array<i64: 1, 1024, 1>}, {transform_indices = @transform_2, window_bounds = array<i64: 1, 1, 1024>}, {transform_indices = @transform_3, window_bounds = array<i64: 1, 512, 1>}]} {
    %get3A = arith.constant 0 : index
    %get3A_0 = arith.constant 0 : index
    %get3A_1 = arith.constant 0 : index
    %get3A_2 = vector.load %arg1[%get3A, %get3A_0, %get3A_1] : memref<1x1x1024xf32, #tpu.memory_space<vmem>>, vector<1x1x1024xf32>
    %get3A_3 = vector.shape_cast %get3A_2 : vector<1x1x1024xf32> to vector<1024xf32>
    %get3A_4 = arith.constant 0 : index
    %get3A_5 = arith.constant 0 : index
    %get3A_6 = arith.constant 0 : index
    %get3A_7 = vector.load %arg2[%get3A_4, %get3A_5, %get3A_6] : memref<1x1024x1xf32, #tpu.memory_space<vmem>>, vector<1x1024x1xf32>
    %get3A_8 = vector.shape_cast %get3A_7 : vector<1x1024x1xf32> to vector<1024x1xf32>
    %iota3A = tpu.iota {dimensions = array<i32: 0>} : vector<1024x1024xi32>
    %iota3A_9 = tpu.iota {dimensions = array<i32: 1>} : vector<1024x1024xi32>
    %broadcast_in_dim3A = vector.shape_cast %get3A_3 : vector<1024xf32> to vector<1x1024xf32>
    %lt3A = vector.broadcast %broadcast_in_dim3A : vector<1x1024xf32> to vector<1024x1024xf32>
    %lt3A_10 = vector.broadcast %get3A_8 : vector<1024x1xf32> to vector<1024x1024xf32>
    %lt3A_11 = arith.cmpf olt, %lt3A, %lt3A_10 : vector<1024x1024xf32>
    %broadcast_in_dim3A_12 = vector.shape_cast %get3A_3 : vector<1024xf32> to vector<1x1024xf32>
    %eq3A = vector.broadcast %broadcast_in_dim3A_12 : vector<1x1024xf32> to vector<1024x1024xf32>
    %eq3A_13 = vector.broadcast %get3A_8 : vector<1024x1xf32> to vector<1024x1024xf32>
    %eq3A_14 = arith.cmpf oeq, %eq3A, %eq3A_13 : vector<1024x1024xf32>
    %lt3A_15 = arith.cmpi slt, %iota3A_9, %iota3A : vector<1024x1024xi32>
    %and3A = arith.andi %eq3A_14, %lt3A_15 : vector<1024x1024xi1>
    %or3A = arith.ori %lt3A_11, %and3A : vector<1024x1024xi1>
    %convert_element_type3A = arith.extui %or3A : vector<1024x1024xi1> to vector<1024x1024xi32>
    %reduce_sum3A = arith.constant dense<0> : vector<1024xi32>
    %reduce_sum3A_16 = vector.multi_reduction <add>, %convert_element_type3A, %reduce_sum3A [1] : vector<1024x1024xi32> to vector<1024xi32>
    %broadcast_in_dim3A_17 = vector.shape_cast %reduce_sum3A_16 : vector<1024xi32> to vector<1024x1xi32>
    %lt3A_18 = arith.constant 512 : i32
    %lt3A_19 = vector.broadcast %lt3A_18 : i32 to vector<1024x1xi32>
    %lt3A_20 = arith.cmpi slt, %broadcast_in_dim3A_17, %lt3A_19 : vector<1024x1xi32>
    %lt3A_21 = arith.cmpi slt, %iota3A, %iota3A_9 : vector<1024x1024xi32>
    %and3A_22 = vector.broadcast %lt3A_20 : vector<1024x1xi1> to vector<1024x1024xi1>
    %and3A_23 = arith.andi %and3A_22, %lt3A_21 : vector<1024x1024xi1>
    %convert_element_type3A_24 = arith.extui %and3A_23 : vector<1024x1024xi1> to vector<1024x1024xi32>
    %reduce_sum3A_25 = arith.constant dense<0> : vector<1024xi32>
    %reduce_sum3A_26 = vector.multi_reduction <add>, %convert_element_type3A_24, %reduce_sum3A_25 [0] : vector<1024x1024xi32> to vector<1024xi32>
    %slice3A = vector.extract_strided_slice %reduce_sum3A_26 {offsets = [1], sizes = [1023], strides = [1]} : vector<1024xi32> to vector<1023xi32>
    %broadcast_in_dim3A_27 = arith.constant 512 : i32
    %broadcast_in_dim3A_28 = vector.broadcast %broadcast_in_dim3A_27 : i32 to vector<1xi32>
    %concatenate3A = tpu.concatenate %slice3A, %broadcast_in_dim3A_28 in 0 : vector<1023xi32>, vector<1xi32> -> vector<1024xi32>
    %gt3A = arith.cmpi sgt, %concatenate3A, %reduce_sum3A_26 : vector<1024xi32>
    %iota3A_29 = tpu.iota {dimensions = array<i32: 0>} : vector<512x1024xi32>
    %broadcast_in_dim3A_30 = vector.shape_cast %gt3A : vector<1024xi1> to vector<1x1024xi1>
    %broadcast_in_dim3A_31 = vector.shape_cast %reduce_sum3A_26 : vector<1024xi32> to vector<1x1024xi32>
    %eq3A_32 = vector.broadcast %broadcast_in_dim3A_31 : vector<1x1024xi32> to vector<512x1024xi32>
    %eq3A_33 = arith.cmpi eq, %eq3A_32, %iota3A_29 : vector<512x1024xi32>
    %and3A_34 = vector.broadcast %broadcast_in_dim3A_30 : vector<1x1024xi1> to vector<512x1024xi1>
    %and3A_35 = arith.andi %and3A_34, %eq3A_33 : vector<512x1024xi1>
    %get3A_36 = arith.constant 0 : index
    %get3A_37 = arith.constant 0 : index
    %get3A_38 = arith.constant 0 : index
    %get3A_39 = vector.load %arg3[%get3A_36, %get3A_37, %get3A_38] : memref<1x1x1024xi32, #tpu.memory_space<vmem>>, vector<1x1x1024xi32>
    %get3A_40 = vector.shape_cast %get3A_39 : vector<1x1x1024xi32> to vector<1024xi32>
    %convert_element_type3A_41 = arith.sitofp %get3A_40 : vector<1024xi32> to vector<1024xf32>
    %broadcast_in_dim3A_42 = vector.shape_cast %convert_element_type3A_41 : vector<1024xf32> to vector<1x1024xf32>
    %jit3A = arith.constant 0.000000e+00 : f32
    %broadcast_in_dim3A_43 = vector.shape_cast %broadcast_in_dim3A_42 : vector<1x1024xf32> to vector<1x1024xf32>
    %broadcast_in_dim3A_44 = vector.broadcast %broadcast_in_dim3A_43 : vector<1x1024xf32> to vector<512x1024xf32>
    %broadcast_in_dim3A_45 = vector.broadcast %jit3A : f32 to vector<512x1024xf32>
    %select_n3A = arith.select %and3A_35, %broadcast_in_dim3A_44, %broadcast_in_dim3A_45 : vector<512x1024xi1>, vector<512x1024xf32>
    %reduce_sum3A_46 = arith.constant dense<0.000000e+00> : vector<512xf32>
    %reduce_sum3A_47 = vector.multi_reduction <add>, %select_n3A, %reduce_sum3A_46 [1] : vector<512x1024xf32> to vector<512xf32>
    %convert_element_type3A_48 = arith.fptosi %reduce_sum3A_47 : vector<512xf32> to vector<512xi32>
    %broadcast_in_dim3A_49 = vector.shape_cast %convert_element_type3A_48 : vector<512xi32> to vector<512x1xi32>
    %mul3A = arith.constant 1024 : i32
    %mul3A_50 = arith.muli %arg0, %mul3A : i32
    %add3A = vector.broadcast %mul3A_50 : i32 to vector<512x1xi32>
    %add3A_51 = arith.addi %broadcast_in_dim3A_49, %add3A : vector<512x1xi32>
    %swap3A = arith.constant 0 : index
    %swap3A_52 = arith.constant 0 : index
    %swap3A_53 = arith.constant 0 : index
    %swap3A_54 = vector.load %arg4[%swap3A, %swap3A_52, %swap3A_53] : memref<1x512x1xi32, #tpu.memory_space<vmem>>, vector<1x512x1xi32>
    %swap3A_55 = vector.shape_cast %swap3A_54 : vector<1x512x1xi32> to vector<512x1xi32>
    %swap3A_56 = vector.shape_cast %add3A_51 : vector<512x1xi32> to vector<1x512x1xi32>
    tpu.vector_store %arg4[%swap3A, %swap3A_52, %swap3A_53], %swap3A_56 {strides = array<i32>} : memref<1x512x1xi32, #tpu.memory_space<vmem>>, vector<1x512x1xi32>,
    return
  }
  func.func @transform_0(%arg0: i32) -> (i32, i32, i32) {
    %c0_i32 = arith.constant 0 : i32
    %c0_i32_0 = arith.constant 0 : i32
    %c0_i32_1 = arith.constant 0 : i32
    return %arg0, %c0_i32, %c0_i32_0 : i32, i32, i32
  }
  func.func @transform_1(%arg0: i32) -> (i32, i32, i32) {
    %c0_i32 = arith.constant 0 : i32
    %c0_i32_0 = arith.constant 0 : i32
    %c0_i32_1 = arith.constant 0 : i32
    return %arg0, %c0_i32, %c0_i32_0 : i32, i32, i32
  }
  func.func @transform_2(%arg0: i32) -> (i32, i32, i32) {
    %c0_i32 = arith.constant 0 : i32
    %c0_i32_0 = arith.constant 0 : i32
    %c0_i32_1 = arith.constant 0 : i32
    return %arg0, %c0_i32, %c0_i32_0 : i32, i32, i32
  }
  func.func @transform_3(%arg0: i32) -> (i32, i32, i32) {
    %c0_i32 = arith.constant 0 : i32
    %c0_i32_0 = arith.constant 0 : i32
    %c0_i32_1 = arith.constant 0 : i32
    return %arg0, %c0_i32, %c0_i32_0 : i32, i32, i32
  }
}

</mosaic_0001>

<sc_bundles>
// kernel: kernel.5.cloned.1.call-start
scs
__scs_entry_jumppad:
0x0: {  	(pc) =	sbr.rel $0x88, $3  }
0x1: {  	(tag) =	ssettag $0x0;
	lr =	simm.s32 $0x1  }
0x2: {  	[smem:$0x3F9F] =	sst lr;
	_ =	strace $0xD0000000  }
0x3: {  	_ = 	snop  }
0x4: {  	_ = 	snop  }
0x5: {  	_ = 	snop  }
0x6: {  	_ = 	snop  }
0x7: {  	_ = 	snop  }
__scs_overlays_trampoline_lowered:
0x8: {  	[smem:$0x3FAE] =	sst s0  }
0x9: {  	[smem:$0x3FAF] =	sst s1  }
0xa: {  	[smem:$0x3FB0] =	sst s2  }
0xb: {  	[smem:$0x3FB1] =	sst s3  }
0xc: {  	[smem:$0x3FB2] =	sst s4  }
0xd: {  	[smem:$0x3FB3] =	sst s5  }
0xe: {  	[smem:$0x3FB4] =	sst s6  }
0xf: {  	[smem:$0x3FB5] =	sst s7  }
0x10: {  	[smem:$0x3FB6] =	sst s8  }
0x11: {  	[smem:$0x3FB7] =	sst s9;
	s0 =	simm.s32 @!p0 $0x0  }
0x12: {  	s1 =	sld [smem:$0x3F9D];
	s0 =	simm.s32 @p0 $0x1  }
0x13: {  	[smem:$0x3FB8] =	sst s0;
	s0 =	simm.s32 @!p1 $0x0  }
0x14: {  	s2 =	sld [smem:$0x3F9C];
	s0 =	simm.s32 @p1 $0x1  }
0x15: {  	[smem:$0x3FB9] =	sst s0;
	s0 =	simm.s32 @!p2 $0x0  }
0x16: {  	s3 =	sld [smem:$0x3FDB];
	s0 =	simm.s32 @p2 $0x1  }
0x17: {  	s4 =	simm.s32 $0x1BF5;
	[smem:$0x3FBB] =	sst s0  }
0x18: {  	s0 =	sld [smem:$0x3F9E];
	_ =	swait.ge [sflag:s4], $0x0  }
0x19: {  	s7 =	sld [smem:$0x3F9F]  }
0x1a: {  	s8 =	sadd.s32 $0xFFFFE003, lr  }
0x1b: {  	s9 =	sadd.s32 $0xFFFFFEF7, lr;
	s5 =	simm.s32 $0xFFFFFFFF;
	p2 =	slt.u32 s8, $0xFFFFF086  }
0x1c: {  	p1 =	slt.u32 s9, $0xF7A;
	s5 =	simm.s32 @!p2 $0x0  }
0x1d: {  	s5 =	simm.s32 @p1 $0x1;
	p0 =	seq.s32 s7, s2  }
0x1e: {  	s7 =	smul.u32 @!p0 $0xF7A, s2;
	p2 =	seq.s32 @!p0 s5, $0x0  }
0x1f: {  	s9 =	smul.u32 $0xF7A, s1;
	s8 =	simm.s32 @!p0 $0x1BF5;
	p2 =	por !p2, p0  }
0x20: {  	[sflag:s8] =	ssyncset.s32 @!p0 $0xFFFFF086;
	s6 =	sadd.s32 @!p0 s3, s7;
	s7 =	simm.s32 @!p0 $0x108  }
0x21: {  	s3 =	sadd.s32 s3, s9;
	s6 =	sadd.s32 @!p0 $0x88, s6;
	s7 =	simm.s32 @p2 $0x1082  }
0x22: {  	[simem:s7], [sflag:s8] =	dma.local @!p0 [hbm:s6], $0xF7A  }
0x23: {  	s9 =	sor.u32 $0xD0000000, s2;
	s6 =	simm.s32 $0x108;
	_ =	swait.ge @!p0 [sflag:s8], $0x0  }
0x24: {  	s3 =	sadd.s32 $0x88, s3;
	s6 =	simm.s32 @!p1 $0x1082;
	[sflag:s4] =	ssyncset.s32 $0xFFFFF086  }
0x25: {  	[simem:s6], [sflag:s4] =	dma.local [hbm:s3], $0xF7A  }
0x26: {  	[smem:$0x3F9F] =	sst s1;
	(tag) =	ssettag s2;
	_ =	strace s9  }
0x27: {  	s1 =	sld [smem:$0x3FAF]  }
0x28: {  	s2 =	sld [smem:$0x3FB0]  }
0x29: {  	s4 =	sld [smem:$0x3FB2]  }
0x2a: {  	p0 =	seq.s32 s5, $0x0;
	s5 =	sld [smem:$0x3FB3]  }
0x2b: {  	s6 =	sld [smem:$0x3FB4]  }
0x2c: {  	s7 =	sld [smem:$0x3FB5]  }
0x2d: {  	s3 =	simm.s32 $0x108;
	s8 =	sld [smem:$0x3FB6]  }
0x2e: {  	s3 =	simm.s32 @!p0 $0x1082;
	s9 =	sld [smem:$0x3FB7]  }
0x2f: {  	lr =	sadd.s32 s0, s3;
	s0 =	sld [smem:$0x3FAE]  }
0x30: {  	s3 =	sld [smem:$0x3FB1]  }
0x31: {  	[smem:$0x3FBA] =	sst s10  }
0x32: {  	s10 =	sld [smem:$0x3FB8];
	_ =	sdelay $0x3  }
0x33: {  	p0 =	seq.s32 s10, $0x1;
	s10 =	sld [smem:$0x3FBA];
	_ =	sdelay $0x3  }
0x34: {  	[smem:$0x3FBA] =	sst s10  }
0x35: {  	s10 =	sld [smem:$0x3FB9];
	_ =	sdelay $0x3  }
0x36: {  	p1 =	seq.s32 s10, $0x1;
	s10 =	sld [smem:$0x3FBA];
	_ =	sdelay $0x3  }
0x37: {  	[smem:$0x3FBA] =	sst s10  }
0x38: {  	s10 =	sld [smem:$0x3FBB]  }
0x39: {  	_ = 	snop;
	(pc) =	sbr.ind lr, $3  }
0x3a: {  	_ = 	snop  }
0x3b: {  	_ = 	snop  }
0x3c: {  	p2 =	seq.s32 s10, $0x1;
	s10 =	sld [smem:$0x3FBA]  }
0x3d: {  	_ =	shalt  }
0x3e: {  	_ =	shalt  }
0x3f: {  	_ =	shalt  }
0x40: {  	_ =	shalt  }
0x41: {  	_ =	shalt  }
0x42: {  	_ =	shalt  }
0x43: {  	_ =	shalt  }
0x44: {  	_ =	shalt  }
0x45: {  	_ =	shalt  }
0x46: {  	_ =	shalt  }
0x47: {  	_ =	shalt  }
0x48: {  	_ =	shalt  }
0x49: {  	_ =	shalt  }
0x4a: {  	_ =	shalt  }
0x4b: {  	_ =	shalt  }
0x4c: {  	_ =	shalt  }
0x4d: {  	_ =	shalt  }
0x4e: {  	_ =	shalt  }
0x4f: {  	_ =	shalt  }
0x50: {  	_ =	shalt  }
0x51: {  	_ =	shalt  }
0x52: {  	_ =	shalt  }
0x53: {  	_ =	shalt  }
0x54: {  	_ =	shalt  }
0x55: {  	_ =	shalt  }
0x56: {  	_ =	shalt  }
0x57: {  	_ =	shalt  }
0x58: {  	_ =	shalt  }
0x59: {  	_ =	shalt  }
0x5a: {  	_ =	shalt  }
0x5b: {  	_ =	shalt  }
0x5c: {  	_ =	shalt  }
0x5d: {  	_ =	shalt  }
0x5e: {  	_ =	shalt  }
0x5f: {  	_ =	shalt  }
0x60: {  	_ =	shalt  }
0x61: {  	_ =	shalt  }
0x62: {  	_ =	shalt  }
0x63: {  	_ =	shalt  }
0x64: {  	_ =	shalt  }
0x65: {  	_ =	shalt  }
0x66: {  	_ =	shalt  }
0x67: {  	_ =	shalt  }
0x68: {  	_ =	shalt  }
0x69: {  	_ =	shalt  }
0x6a: {  	_ =	shalt  }
0x6b: {  	_ =	shalt  }
0x6c: {  	_ =	shalt  }
0x6d: {  	_ =	shalt  }
0x6e: {  	_ =	shalt  }
0x6f: {  	_ =	shalt  }
0x70: {  	_ =	shalt  }
0x71: {  	_ =	shalt  }
0x72: {  	_ =	shalt  }
0x73: {  	_ =	shalt  }
0x74: {  	_ =	shalt  }
0x75: {  	_ =	shalt  }
0x76: {  	_ =	shalt  }
0x77: {  	_ =	shalt  }
0x78: {  	_ =	shalt  }
0x79: {  	_ =	shalt  }
0x7a: {  	_ =	shalt  }
0x7b: {  	_ =	shalt  }
0x7c: {  	_ =	shalt  }
0x7d: {  	_ =	shalt  }
0x7e: {  	_ =	shalt  }
0x7f: {  	_ =	shalt  }
0x80: {  	_ =	shalt  }
0x81: {  	_ =	shalt  }
0x82: {  	_ =	shalt  }
0x83: {  	_ =	shalt  }
0x84: {  	_ =	shalt  }
0x85: {  	_ =	shalt  }
0x86: {  	_ =	shalt  }
0x87: {  	_ =	shalt  }
.Lfunc_end0:
.L_simem_size_0:
called_computation_lowered:
.L_overlay_start_0:
0x88: {  	s2 =	sld [smem:$0x3FD9]  }
0x89: {  	s3 =	sld [smem:$0x3FFE];
	_ =	sdelay $0x1  }
0x8a: {  	s1 =	srdreg.scid  }
0x8b: {  	s0 =	sand.u32 $0x1, s1  }
0x8c: {  	s17 =	sshll.u32 s0, $0xA;
	s2 =	sadd.s32 s3, s2  }
0x8d: {  	s2 =	sadd.s32 s2, s17  }
0x8e: {  	[smem:$0x3FC6] =	sst s2  }
0x8f: {  	_ = 	snop  }
0x90: {  	s2 =	sld [smem:$0x3FC8]  }
0x91: {  	s18 =	sld [smem:$0x3FD0];
	(tm) =	ssettm $0x1  }
0x92: {  	s4 =	sld [smem:$0x3FFB];
	_ =	sdelay $0x3  }
0x93: {  	_ =	strace s4  }
0x94: {  	s4 =	sld [smem:$0x3FFC];
	_ =	sdelay $0x3  }
0x95: {  	_ =	strace s4  }
0x96: {  	s4 =	sld [smem:$0x3FFD];
	_ =	sdelay $0x3  }
0x97: {  	_ =	strace s4  }
0x98: {  	_ =	strace $0x8FFFFFFF  }
0x99: {  	s19 =	sld [smem:$0x3FDB];
	_ =	sdelay $0x1  }
0x9a: {  	s5 =	simm.s32 $_scs_section_size  }
0x9b: {  	s6 =	simm.s32 $_size__tile_overlayer_lowered;
	s7 =	simm.s32 $_tile_overlayer_lowered  }
0x9c: {  	s22 =	simm.s32 $0x1BFF;
	s21 =	sshll.u32 s7, $0x1;
	s4 =	sadd.s32 s5, s19  }
0x9d: {  	s8 =	simm.s32 $0x0;
	s20 =	sshll.u32 s6, $0x1;
	s6 =	sadd.s32 s21, s4  }
0x9e: {  	[timem:s8], [sflag:s22] =	dma.local [hbm:s6], s20  }
0x9f: {  	_ =	swait.ge [sflag:s22], s20  }
0xa0: {  	s5 =	ssub.s32 $0x0, s20;
	[sflag:s22] =	ssyncset.done $0x0  }
0xa1: {  	[sflag:s22] =	ssyncadd.s32 s5;
	_ =	sdelay $0x1  }
0xa2: {  	s23 =	simm.s32 $0x1B8B  }
0xa3: {  	_ =	swait.ge [sflag:s23], $0x1  }
0xa4: {  	[sflag:s23] =	ssyncset.done $0x0  }
0xa5: {  	s25 =	simm.s32 $0x1B8E;
	s24 =	sld [smem:$0x3FFE];
	[sflag:s23] =	ssyncadd.s32 $0xFFFFFFFF  }
0xa6: {  	s26 =	simm.s32 $execute0_lowered;
	[smem:$0x3FD2] =	sst s25  }
0xa7: {  	s6 =	sshll.u32 s26, $0x1;
	_ =	strace $0x80000046;
	[dreg:$0x1] =	wrdreg $0xFFFFFFFF  }
0xa8: {  	s28 =	simm.s32 $_size_execute0_lowered;
	s4 =	sadd.s32 s4, s6;
	[dreg:$0x0] =	wrdreg $0x0  }
0xa9: {  	s6 =	sshll.u32 s28, $0x1;
	[dreg:$0x2] =	wrdreg s4  }
0xaa: {  	[dreg:$0x3] =	wrdreg s6  }
0xab: {  	[dreg:$0x4] =	wrdreg $0xC0  }
0xac: {  	_ =	task [dreg:s8], $0x5FFFF  }
0xad: {  	[dreg:$0x1] =	wrdreg $0xFFFFFFFF  }
0xae: {  	[dreg:$0x0] =	wrdreg $0x60  }
0xaf: {  	[dreg:$0x2] =	wrdreg s24  }
0xb0: {  	[dreg:$0x3] =	wrdreg s2  }
0xb1: {  	[dreg:$0x4] =	wrdreg s18  }
0xb2: {  	[dreg:$0x5] =	wrdreg $0x9  }
0xb3: {  	_ =	task.clear_ibuf [dreg:s8], $0x6FFFF;
	_ =	strace $0x90000046  }
0xb4: {  	s29 =	simm.s32 $0x9;
	_ =	strace $0x80000048  }
0xb5: {  	_ =	swait.ge [sflag:s29], $0x1  }
0xb6: {  	[sflag:s29] =	ssyncadd.s32 $0xFFFFFFFF  }
0xb7: {  	_ =	strace $0x90000048  }
0xb8: {  	_ =	sfence  }
0xb9: {  	s30 =	sld [smem:$0x0];
	_ =	sdelay $0x2  }
0xba: {  	s31 =	sshll.u32 s1, $0xD;
	s1 =	sshrl.u32 s1, $0x2  }
0xbb: {  	s3 =	sand.u32 $0x4000, s31;
	s1 =	sadd.s32 s1, s30  }
0xbc: {  	s0 =	sor.u32 s3, s0;
	s1 =	sshll.u32 s1, $0x11  }
0xbd: {  	s0 =	sor.u32 s1, s0  }
0xbe: {  	s0 =	sadd.s32 $0x8F2B, s0  }
0xbf: {  	[sflag:s0] =	ssyncadd.remote.s32 $0x1  }
0xc0: {  	_ =	sfence.sel $0xFFFF  }
0xc1: {  	[dreg:$0x0] =	wrdreg $0xFFFFFFFF;
	(pc) =	sbr.abs _section_cstart, $3  }
0xc2: {  	[dreg:$0x1] =	wrdreg $0xFFFFFFFF  }
0xc3: {  	_ =	task.clear_ibuf [dreg:s8], $0x2FFFF;
	_ =	strace $0x9FFFFFFF  }
0xc4: {  	(tm) =	ssettm $0x7FFFFFFF  }
0xc5: {  	_ =	shalt  }
tec
execute0_lowered:
.L_overlay_start_1:
0x0: {  	(tag) =	ssettag $0x1  }
0x1: {  	s4 =	rddreg [dreg:$0x0]  }
0x2: {  	s2 =	rddreg [dreg:$0x1]  }
0x3: {  	s5 =	rddreg [dreg:$0x2];
	s3 =	simm.s32 $0x0  }
0x4: {  	s9 =	simm.s32 $0x900;
	[smem:$0x7FF] =	sst s3  }
0x5: {  	s10 =	simm.s32 $0xD00;
	_ =	strace $0x80000047;
	[dreg:$0x6] =	wrdreg s9  }
0x6: {  	s11 =	simm.s32 $0x1500;
	[dreg:$0x7] =	wrdreg s10  }
0x7: {  	s12 =	simm.s32 $0x1900;
	[dreg:$0x8] =	wrdreg s11  }
0x8: {  	s13 =	simm.s32 $0x2100;
	[dreg:$0x9] =	wrdreg s12  }
0x9: {  	s14 =	simm.s32 $0x2500;
	[dreg:$0xa] =	wrdreg s13  }
0xa: {  	s15 =	simm.s32 $0x2D00;
	[dreg:$0xb] =	wrdreg s14  }
0xb: {  	s16 =	simm.s32 $0x3100;
	[dreg:$0xc] =	wrdreg s15  }
0xc: {  	s17 =	simm.s32 $0x3900;
	[dreg:$0xd] =	wrdreg s16  }
0xd: {  	s18 =	simm.s32 $0x3D00;
	[dreg:$0xe] =	wrdreg s17  }
0xe: {  	s19 =	simm.s32 $0x4500;
	[dreg:$0xf] =	wrdreg s18  }
0xf: {  	s20 =	simm.s32 $0x4900;
	[dreg:$0x10] =	wrdreg s19  }
0x10: {  	s21 =	simm.s32 $0x5100;
	[dreg:$0x11] =	wrdreg s20  }
0x11: {  	s22 =	simm.s32 $0x5500;
	[dreg:$0x12] =	wrdreg s21  }
0x12: {  	s23 =	simm.s32 $0x5D00;
	[dreg:$0x13] =	wrdreg s22  }
0x13: {  	s24 =	simm.s32 $0x6100;
	[dreg:$0x14] =	wrdreg s23  }
0x14: {  	s25 =	simm.s32 $0x6900;
	[dreg:$0x15] =	wrdreg s24  }
0x15: {  	s0 =	stileid.u32;
	s26 =	simm.s32 $0x6D00;
	[dreg:$0x16] =	wrdreg s25  }
0x16: {  	s6 =	sshll.u32 s0, $0x6;
	s0 =	simm.s32 $0x7500;
	[dreg:$0x17] =	wrdreg s26  }
0x17: {  	[dreg:$0x18] =	wrdreg s0;
	s9 =	simm.s32 $0x9100  }
0x18: {  	s10 =	simm.s32 $0x9900;
	[dreg:$0x1d] =	wrdreg s9  }
0x19: {  	s11 =	simm.s32 $0x9D00;
	[dreg:$0x1e] =	wrdreg s10  }
0x1a: {  	s12 =	simm.s32 $0xA500;
	[dreg:$0x1f] =	wrdreg s11  }
0x1b: {  	s13 =	simm.s32 $0xA900;
	[smem:$0x7F0] =	sst s12  }
0x1c: {  	s14 =	simm.s32 $0xB100;
	[smem:$0x7F1] =	sst s13  }
0x1d: {  	s15 =	simm.s32 $0xB500;
	[smem:$0x7F2] =	sst s14  }
0x1e: {  	s16 =	simm.s32 $0xBD00;
	[smem:$0x7F3] =	sst s15  }
0x1f: {  	s1 =	srdreg.scid;
	s17 =	simm.s32 $0xC100;
	[smem:$0x7F4] =	sst s16  }
0x20: {  	s28 =	simm.s32 $0x16900;
	s18 =	simm.s32 $0xC900;
	[smem:$0x7F5] =	sst s17  }
0x21: {  	s29 =	simm.s32 $0x17100;
	s19 =	simm.s32 $0xCD00;
	[smem:$0x7F6] =	sst s18  }
0x22: {  	s30 =	simm.s32 $0x17500;
	s20 =	simm.s32 $0xD500;
	[smem:$0x7F7] =	sst s19  }
0x23: {  	s31 =	simm.s32 $0x17D00;
	s21 =	simm.s32 $0xD900;
	[smem:$0x7F8] =	sst s20  }
0x24: {  	s1 =	sand.u32 $0x1, s1;
	s23 =	simm.s32 $0xE100;
	[smem:$0x7F9] =	sst s21  }
0x25: {  	s7 =	sshll.u32 s1, $0x5;
	s24 =	simm.s32 $0xE500;
	[smem:$0x7FA] =	sst s23  }
0x26: {  	s1 =	ssub.s32 $0x2, s1;
	s25 =	simm.s32 $0xED00;
	[smem:$0x7FB] =	sst s24  }
0x27: {  	s26 =	simm.s32 $0xF100;
	s6 =	sor.u32 s7, s6;
	[smem:$0x7FC] =	sst s25  }
0x28: {  	s22 =	sshrl.u32 s1, $0x1;
	[smem:$0x7FD] =	sst s26;
	s9 =	simm.s32 $0xFD00  }
0x29: {  	s10 =	simm.s32 $0x10500;
	s11 =	simm.s32 $0x10900;
	s12 =	simm.s32 $0x11100  }
0x2a: {  	s13 =	simm.s32 $0x11500;
	s14 =	simm.s32 $0x11D00;
	s15 =	simm.s32 $0x12100  }
0x2b: {  	s16 =	simm.s32 $0x12900;
	s17 =	simm.s32 $0x12D00;
	s18 =	simm.s32 $0x13500  }
0x2c: {  	s19 =	simm.s32 $0x13900;
	s20 =	simm.s32 $0x14100;
	s21 =	simm.s32 $0x14500  }
0x2d: {  	s23 =	simm.s32 $0x15100;
	s24 =	simm.s32 $0x15900;
	s25 =	simm.s32 $0x15D00  }
0x2e: {  	s26 =	simm.s32 $0x16500;
	s7 =	smul.u32 $0x180, s6;
	s4 =	sadd.s32 s4, s6  }
0x2f: {  	s6 =	simm.s32 $0x8100;
	s1 =	ssub.s32 s1, s22;
	[dreg:$0x4] =	wrdreg s4  }
0x30: {  	s22 =	simm.s32 $0x14D00;
	[dreg:$0x1a] =	wrdreg s6;
	s8 =	sadd.s32 s5, s7  }
0x31: {  	s4 =	sadd.s32 $0x100, s2;
	s5 =	simm.s32 $0x7900;
	[dreg:$0x5] =	wrdreg s8  }
0x32: {  	v2 =	vlaneseq.u32;
	s6 =	simm.s32 $0x2;
	s7 =	simm.s32 $0x8500;
	[dreg:$0x19] =	wrdreg s5  }
0x33: {  	vm0 =	vmmov $0xffff;
	vm1 =	vmmov $0xff;
	v1 =	vshrl.u32 v2, $0x3;
	[dreg:$0x1b] =	wrdreg s7;
	s8 =	simm.s32 $0x8D00;
	s5 =	smax.u32 s1, $0x1  }
0x34: {  	v0 =	vand.u32 $0x7, v2;
	v2 =	vor.u32 $0x8, v2;
	v1 =	vmul.u32 $0x8, v1;
	s7 =	simm.s32 $0x100;
	s1 =	simm.s32 $0x1;
	[dreg:$0x1c] =	wrdreg s8  }
.LBB2_1:
0x35: {  	s0 =	rddreg [dreg:$0x4]  }
0x36: {  	[tilespmem:s3], [sflag:$0x2] =	stream.linear.gather [hbm4b:s0+s3], $0x100, $0x38;
	[tilespmem:$0x18100] =	vst v63  }
0x37: {  	_ =	swait.ge [sflag:s6], $0x100  }
0x38: {  	[sflag:s6] =	ssyncset.done $0x0  }
0x39: {  	[sflag:s6] =	ssyncadd.s32 $0xFFFFFF00  }
0x3a: {  	v3 =	vld [tilespmem:$0x0];
	_ =	sdelay $0x4  }
0x3b: {  	v4 =	vshrl.u32 v3, $0x3  }
0x3c: {  	v4 =	vmul.u32 $0x18, v4  }
0x3d: {  	v3 =	vand.u32 $0x7, v3  }
0x3e: {  	v3 =	vor.u32 v3, v4  }
0x3f: {  	v4 =	vperm.xlane v3, v0;
	_ =	sdelay $0x1  }
0x40: {  	v4 =	vadd.s32 v1, v4;
	_ =	sdelay $0x1  }
0x41: {  	v3 =	vperm.xlane v3, v2;
	_ =	sdelay $0x1  }
0x42: {  	v3 =	vadd.s32 v1, v3  }
0x43: {  	[tilespmem:s7], [sflag:$0x1] =	stream.indirect_vreg.gather [hbm4b:s2+s3], $0x80, v4, vm0, $0xb8;
	[tilespmem:$0x18100] =	vst v63  }
0x44: {  	s0 =	rddreg [dreg:$0x6]  }
0x45: {  	[tilespmem:s0], [sflag:$0x1] =	stream.indirect_vreg.gather [hbm4b:s4+s3], $0x80, v4, vm1, $0xb8;
	[tilespmem:$0x18100] =	vst v63  }
0x46: {  	s8 =	rddreg [dreg:$0x7]  }
0x47: {  	[tilespmem:s8], [sflag:$0x1] =	stream.indirect_vreg.gather [hbm4b:s2+s3], $0x80, v3, vm0, $0xb8;
	[tilespmem:$0x18100] =	vst v63  }
0x48: {  	s0 =	rddreg [dreg:$0x8]  }
0x49: {  	[tilespmem:s0], [sflag:$0x1] =	stream.indirect_vreg.gather [hbm4b:s4+s3], $0x80, v3, vm1, $0xb8;
	[tilespmem:$0x18100] =	vst v63  }
0x4a: {  	v3 =	vld [tilespmem:$0x10];
	_ =	sdelay $0x4  }
0x4b: {  	v49 =	vshrl.u32 v3, $0x3  }
0x4c: {  	v4 =	vmul.u32 $0x18, v49  }
0x4d: {  	v3 =	vand.u32 $0x7, v3  }
0x4e: {  	v3 =	vor.u32 v3, v4  }
0x4f: {  	v4 =	vperm.xlane v3, v0;
	_ =	sdelay $0x1  }
0x50: {  	v4 =	vadd.s32 v1, v4;
	_ =	sdelay $0x1  }
0x51: {  	v3 =	vperm.xlane v3, v2;
	_ =	sdelay $0x1  }
0x52: {  	s0 =	rddreg [dreg:$0x9];
	v3 =	vadd.s32 v1, v3  }
0x53: {  	[tilespmem:s0], [sflag:$0x1] =	stream.indirect_vreg.gather [hbm4b:s2+s3], $0x80, v4, vm0, $0xb8;
	[tilespmem:$0x18100] =	vst v63  }
0x54: {  	s8 =	rddreg [dreg:$0xa]  }
0x55: {  	[tilespmem:s8], [sflag:$0x1] =	stream.indirect_vreg.gather [hbm4b:s4+s3], $0x80, v4, vm1, $0xb8;
	[tilespmem:$0x18100] =	vst v63  }
0x56: {  	s0 =	rddreg [dreg:$0xb]  }
0x57: {  	[tilespmem:s0], [sflag:$0x1] =	stream.indirect_vreg.gather [hbm4b:s2+s3], $0x80, v3, vm0, $0xb8;
	[tilespmem:$0x18100] =	vst v63  }
0x58: {  	s8 =	rddreg [dreg:$0xc]  }
0x59: {  	[tilespmem:s8], [sflag:$0x1] =	stream.indirect_vreg.gather [hbm4b:s4+s3], $0x80, v3, vm1, $0xb8;
	[tilespmem:$0x18100] =	vst v63  }
0x5a: {  	v3 =	vld [tilespmem:$0x20];
	_ =	sdelay $0x4  }
0x5b: {  	v50 =	vshrl.u32 v3, $0x3  }
0x5c: {  	v4 =	vmul.u32 $0x18, v50  }
0x5d: {  	v3 =	vand.u32 $0x7, v3  }
0x5e: {  	v3 =	vor.u32 v3, v4  }
0x5f: {  	v4 =	vperm.xlane v3, v0;
	_ =	sdelay $0x1  }
0x60: {  	v4 =	vadd.s32 v1, v4;
	_ =	sdelay $0x1  }
0x61: {  	v3 =	vperm.xlane v3, v2;
	_ =	sdelay $0x1  }
0x62: {  	s0 =	rddreg [dreg:$0xd];
	v3 =	vadd.s32 v1, v3  }
0x63: {  	[tilespmem:s0], [sflag:$0x1] =	stream.indirect_vreg.gather [hbm4b:s2+s3], $0x80, v4, vm0, $0xb8;
	[tilespmem:$0x18100] =	vst v63  }
0x64: {  	s8 =	rddreg [dreg:$0xe]  }
0x65: {  	[tilespmem:s8], [sflag:$0x1] =	stream.indirect_vreg.gather [hbm4b:s4+s3], $0x80, v4, vm1, $0xb8;
	[tilespmem:$0x18100] =	vst v63  }
0x66: {  	s0 =	rddreg [dreg:$0xf]  }
0x67: {  	[tilespmem:s0], [sflag:$0x1] =	stream.indirect_vreg.gather [hbm4b:s2+s3], $0x80, v3, vm0, $0xb8;
	[tilespmem:$0x18100] =	vst v63  }
0x68: {  	s8 =	rddreg [dreg:$0x10]  }
0x69: {  	[tilespmem:s8], [sflag:$0x1] =	stream.indirect_vreg.gather [hbm4b:s4+s3], $0x80, v3, vm1, $0xb8;
	[tilespmem:$0x18100] =	vst v63  }
0x6a: {  	v3 =	vld [tilespmem:$0x30];
	_ =	sdelay $0x4  }
0x6b: {  	v51 =	vshrl.u32 v3, $0x3  }
0x6c: {  	v4 =	vmul.u32 $0x18, v51  }
0x6d: {  	v3 =	vand.u32 $0x7, v3  }
0x6e: {  	v3 =	vor.u32 v3, v4  }
0x6f: {  	v4 =	vperm.xlane v3, v0;
	_ =	sdelay $0x1  }
0x70: {  	v4 =	vadd.s32 v1, v4;
	_ =	sdelay $0x1  }
0x71: {  	v3 =	vperm.xlane v3, v2;
	_ =	sdelay $0x1  }
0x72: {  	s0 =	rddreg [dreg:$0x11];
	v3 =	vadd.s32 v1, v3  }
0x73: {  	[tilespmem:s0], [sflag:$0x1] =	stream.indirect_vreg.gather [hbm4b:s2+s3], $0x80, v4, vm0, $0xb8;
	[tilespmem:$0x18100] =	vst v63  }
0x74: {  	s8 =	rddreg [dreg:$0x12]  }
0x75: {  	[tilespmem:s8], [sflag:$0x1] =	stream.indirect_vreg.gather [hbm4b:s4+s3], $0x80, v4, vm1, $0xb8;
	[tilespmem:$0x18100] =	vst v63  }
0x76: {  	s0 =	rddreg [dreg:$0x13]  }
0x77: {  	[tilespmem:s0], [sflag:$0x1] =	stream.indirect_vreg.gather [hbm4b:s2+s3], $0x80, v3, vm0, $0xb8;
	[tilespmem:$0x18100] =	vst v63  }
0x78: {  	s8 =	rddreg [dreg:$0x14]  }
0x79: {  	[tilespmem:s8], [sflag:$0x1] =	stream.indirect_vreg.gather [hbm4b:s4+s3], $0x80, v3, vm1, $0xb8;
	[tilespmem:$0x18100] =	vst v63  }
0x7a: {  	v3 =	vld [tilespmem:$0x40];
	_ =	sdelay $0x4  }
0x7b: {  	v52 =	vshrl.u32 v3, $0x3  }
0x7c: {  	v4 =	vmul.u32 $0x18, v52  }
0x7d: {  	v3 =	vand.u32 $0x7, v3  }
0x7e: {  	v3 =	vor.u32 v3, v4  }
0x7f: {  	v4 =	vperm.xlane v3, v0;
	_ =	sdelay $0x1  }
0x80: {  	v4 =	vadd.s32 v1, v4;
	_ =	sdelay $0x1  }
0x81: {  	v3 =	vperm.xlane v3, v2;
	_ =	sdelay $0x1  }
0x82: {  	s0 =	rddreg [dreg:$0x15];
	v3 =	vadd.s32 v1, v3  }
0x83: {  	[tilespmem:s0], [sflag:$0x1] =	stream.indirect_vreg.gather [hbm4b:s2+s3], $0x80, v4, vm0, $0xb8;
	[tilespmem:$0x18100] =	vst v63  }
0x84: {  	s8 =	rddreg [dreg:$0x16]  }
0x85: {  	[tilespmem:s8], [sflag:$0x1] =	stream.indirect_vreg.gather [hbm4b:s4+s3], $0x80, v4, vm1, $0xb8;
	[tilespmem:$0x18100] =	vst v63  }
0x86: {  	s0 =	rddreg [dreg:$0x17]  }
0x87: {  	[tilespmem:s0], [sflag:$0x1] =	stream.indirect_vreg.gather [hbm4b:s2+s3], $0x80, v3, vm0, $0xb8;
	[tilespmem:$0x18100] =	vst v63  }
0x88: {  	s8 =	rddreg [dreg:$0x18]  }
0x89: {  	[tilespmem:s8], [sflag:$0x1] =	stream.indirect_vreg.gather [hbm4b:s4+s3], $0x80, v3, vm1, $0xb8;
	[tilespmem:$0x18100] =	vst v63  }
0x8a: {  	v3 =	vld [tilespmem:$0x50];
	_ =	sdelay $0x4  }
0x8b: {  	v53 =	vshrl.u32 v3, $0x3  }
0x8c: {  	v4 =	vmul.u32 $0x18, v53  }
0x8d: {  	v3 =	vand.u32 $0x7, v3  }
0x8e: {  	v3 =	vor.u32 v3, v4  }
0x8f: {  	v4 =	vperm.xlane v3, v0;
	_ =	sdelay $0x1  }
0x90: {  	v4 =	vadd.s32 v1, v4;
	_ =	sdelay $0x1  }
0x91: {  	v3 =	vperm.xlane v3, v2;
	_ =	sdelay $0x1  }
0x92: {  	s0 =	rddreg [dreg:$0x19];
	v3 =	vadd.s32 v1, v3  }
0x93: {  	[tilespmem:s0], [sflag:$0x1] =	stream.indirect_vreg.gather [hbm4b:s2+s3], $0x80, v4, vm0, $0xb8;
	[tilespmem:$0x18100] =	vst v63  }
0x94: {  	s8 =	rddreg [dreg:$0x1a]  }
0x95: {  	[tilespmem:s8], [sflag:$0x1] =	stream.indirect_vreg.gather [hbm4b:s4+s3], $0x80, v4, vm1, $0xb8;
	[tilespmem:$0x18100] =	vst v63  }
0x96: {  	s0 =	rddreg [dreg:$0x1b]  }
0x97: {  	[tilespmem:s0], [sflag:$0x1] =	stream.indirect_vreg.gather [hbm4b:s2+s3], $0x80, v3, vm0, $0xb8;
	[tilespmem:$0x18100] =	vst v63  }
0x98: {  	s8 =	rddreg [dreg:$0x1c]  }
0x99: {  	[tilespmem:s8], [sflag:$0x1] =	stream.indirect_vreg.gather [hbm4b:s4+s3], $0x80, v3, vm1, $0xb8;
	[tilespmem:$0x18100] =	vst v63  }
0x9a: {  	v3 =	vld [tilespmem:$0x60];
	_ =	sdelay $0x4  }
0x9b: {  	v54 =	vshrl.u32 v3, $0x3  }
0x9c: {  	v4 =	vmul.u32 $0x18, v54  }
0x9d: {  	v3 =	vand.u32 $0x7, v3  }
0x9e: {  	v3 =	vor.u32 v3, v4  }
0x9f: {  	v4 =	vperm.xlane v3, v0;
	_ =	sdelay $0x1  }
0xa0: {  	v4 =	vadd.s32 v1, v4;
	_ =	sdelay $0x1  }
0xa1: {  	v3 =	vperm.xlane v3, v2  }
0xa2: {  	s0 =	rddreg [dreg:$0x1d]  }
0xa3: {  	s8 =	rddreg [dreg:$0x1e];
	v3 =	vadd.s32 v1, v3  }
0xa4: {  	[tilespmem:s0], [sflag:$0x1] =	stream.indirect_vreg.gather [hbm4b:s2+s3], $0x80, v4, vm0, $0xb8;
	[tilespmem:$0x18100] =	vst v63  }
0xa5: {  	s0 =	rddreg [dreg:$0x1f]  }
0xa6: {  	[tilespmem:s8], [sflag:$0x1] =	stream.indirect_vreg.gather [hbm4b:s4+s3], $0x80, v4, vm1, $0xb8;
	[tilespmem:$0x18100] =	vst v63  }
0xa7: {  	s8 =	sld [smem:$0x7F0]  }
0xa8: {  	[tilespmem:s0], [sflag:$0x1] =	stream.indirect_vreg.gather [hbm4b:s2+s3], $0x80, v3, vm0, $0xb8;
	[tilespmem:$0x18100] =	vst v63  }
0xa9: {  	_ = 	snop  }
0xaa: {  	[tilespmem:s8], [sflag:$0x1] =	stream.indirect_vreg.gather [hbm4b:s4+s3], $0x80, v3, vm1, $0xb8;
	[tilespmem:$0x18100] =	vst v63  }
0xab: {  	v3 =	vld [tilespmem:$0x70];
	_ =	sdelay $0x4  }
0xac: {  	v55 =	vshrl.u32 v3, $0x3  }
0xad: {  	v4 =	vmul.u32 $0x18, v55  }
0xae: {  	v3 =	vand.u32 $0x7, v3  }
0xaf: {  	v3 =	vor.u32 v3, v4  }
0xb0: {  	v4 =	vperm.xlane v3, v0;
	_ =	sdelay $0x1  }
0xb1: {  	v4 =	vadd.s32 v1, v4;
	_ =	sdelay $0x1  }
0xb2: {  	s0 =	sld [smem:$0x7F1];
	v3 =	vperm.xlane v3, v2;
	_ =	sdelay $0x1  }
0xb3: {  	s8 =	sld [smem:$0x7F2];
	v3 =	vadd.s32 v1, v3  }
0xb4: {  	[tilespmem:s0], [sflag:$0x1] =	stream.indirect_vreg.gather [hbm4b:s2+s3], $0x80, v4, vm0, $0xb8;
	[tilespmem:$0x18100] =	vst v63  }
0xb5: {  	s0 =	sld [smem:$0x7F3]  }
0xb6: {  	[tilespmem:s8], [sflag:$0x1] =	stream.indirect_vreg.gather [hbm4b:s4+s3], $0x80, v4, vm1, $0xb8;
	[tilespmem:$0x18100] =	vst v63  }
0xb7: {  	s8 =	sld [smem:$0x7F4]  }
0xb8: {  	[tilespmem:s0], [sflag:$0x1] =	stream.indirect_vreg.gather [hbm4b:s2+s3], $0x80, v3, vm0, $0xb8;
	[tilespmem:$0x18100] =	vst v63  }
0xb9: {  	_ = 	snop  }
0xba: {  	[tilespmem:s8], [sflag:$0x1] =	stream.indirect_vreg.gather [hbm4b:s4+s3], $0x80, v3, vm1, $0xb8;
	[tilespmem:$0x18100] =	vst v63  }
0xbb: {  	v3 =	vld [tilespmem:$0x80];
	_ =	sdelay $0x4  }
0xbc: {  	v56 =	vshrl.u32 v3, $0x3  }
0xbd: {  	v4 =	vmul.u32 $0x18, v56  }
0xbe: {  	v3 =	vand.u32 $0x7, v3  }
0xbf: {  	v3 =	vor.u32 v3, v4  }
0xc0: {  	v4 =	vperm.xlane v3, v0;
	_ =	sdelay $0x1  }
0xc1: {  	v4 =	vadd.s32 v1, v4;
	_ =	sdelay $0x1  }
0xc2: {  	s0 =	sld [smem:$0x7F5];
	v3 =	vperm.xlane v3, v2;
	_ =	sdelay $0x1  }
0xc3: {  	s8 =	sld [smem:$0x7F6];
	v3 =	vadd.s32 v1, v3  }
0xc4: {  	[tilespmem:s0], [sflag:$0x1] =	stream.indirect_vreg.gather [hbm4b:s2+s3], $0x80, v4, vm0, $0xb8;
	[tilespmem:$0x18100] =	vst v63  }
0xc5: {  	s0 =	sld [smem:$0x7F7]  }
0xc6: {  	[tilespmem:s8], [sflag:$0x1] =	stream.indirect_vreg.gather [hbm4b:s4+s3], $0x80, v4, vm1, $0xb8;
	[tilespmem:$0x18100] =	vst v63  }
0xc7: {  	s8 =	sld [smem:$0x7F8]  }
0xc8: {  	[tilespmem:s0], [sflag:$0x1] =	stream.indirect_vreg.gather [hbm4b:s2+s3], $0x80, v3, vm0, $0xb8;
	[tilespmem:$0x18100] =	vst v63  }
0xc9: {  	_ = 	snop  }
0xca: {  	[tilespmem:s8], [sflag:$0x1] =	stream.indirect_vreg.gather [hbm4b:s4+s3], $0x80, v3, vm1, $0xb8;
	[tilespmem:$0x18100] =	vst v63  }
0xcb: {  	v3 =	vld [tilespmem:$0x90];
	_ =	sdelay $0x4  }
0xcc: {  	v57 =	vshrl.u32 v3, $0x3  }
0xcd: {  	v4 =	vmul.u32 $0x18, v57  }
0xce: {  	v3 =	vand.u32 $0x7, v3  }
0xcf: {  	v3 =	vor.u32 v3, v4  }
0xd0: {  	v4 =	vperm.xlane v3, v0;
	_ =	sdelay $0x1  }
0xd1: {  	v4 =	vadd.s32 v1, v4;
	_ =	sdelay $0x1  }
0xd2: {  	s0 =	sld [smem:$0x7F9];
	v3 =	vperm.xlane v3, v2;
	_ =	sdelay $0x1  }
0xd3: {  	s8 =	sld [smem:$0x7FA];
	v3 =	vadd.s32 v1, v3  }
0xd4: {  	[tilespmem:s0], [sflag:$0x1] =	stream.indirect_vreg.gather [hbm4b:s2+s3], $0x80, v4, vm0, $0xb8;
	[tilespmem:$0x18100] =	vst v63  }
0xd5: {  	s0 =	sld [smem:$0x7FB]  }
0xd6: {  	[tilespmem:s8], [sflag:$0x1] =	stream.indirect_vreg.gather [hbm4b:s4+s3], $0x80, v4, vm1, $0xb8;
	[tilespmem:$0x18100] =	vst v63  }
0xd7: {  	s8 =	sld [smem:$0x7FC]  }
0xd8: {  	[tilespmem:s0], [sflag:$0x1] =	stream.indirect_vreg.gather [hbm4b:s2+s3], $0x80, v3, vm0, $0xb8;
	[tilespmem:$0x18100] =	vst v63  }
0xd9: {  	_ = 	snop  }
0xda: {  	[tilespmem:s8], [sflag:$0x1] =	stream.indirect_vreg.gather [hbm4b:s4+s3], $0x80, v3, vm1, $0xb8;
	[tilespmem:$0x18100] =	vst v63  }
0xdb: {  	v3 =	vld [tilespmem:$0xA0];
	_ =	sdelay $0x4  }
0xdc: {  	v58 =	vshrl.u32 v3, $0x3  }
0xdd: {  	v4 =	vmul.u32 $0x18, v58  }
0xde: {  	v3 =	vand.u32 $0x7, v3  }
0xdf: {  	v3 =	vor.u32 v3, v4  }
0xe0: {  	v4 =	vperm.xlane v3, v0;
	_ =	sdelay $0x1  }
0xe1: {  	v4 =	vadd.s32 v1, v4;
	_ =	sdelay $0x1  }
0xe2: {  	s8 =	sld [smem:$0x7FD];
	v3 =	vperm.xlane v3, v2;
	_ =	sdelay $0x1  }
0xe3: {  	v3 =	vadd.s32 v1, v3  }
0xe4: {  	[tilespmem:s8], [sflag:$0x1] =	stream.indirect_vreg.gather [hbm4b:s2+s3], $0x80, v4, vm0, $0xb8;
	[tilespmem:$0x18100] =	vst v63  }
0xe5: {  	s8 =	simm.s32 $0xF900  }
0xe6: {  	[tilespmem:s8], [sflag:$0x1] =	stream.indirect_vreg.gather [hbm4b:s4+s3], $0x80, v4, vm1, $0xb8;
	[tilespmem:$0x18100] =	vst v63  }
0xe7: {  	_ = 	snop  }
0xe8: {  	[tilespmem:s9], [sflag:$0x1] =	stream.indirect_vreg.gather [hbm4b:s2+s3], $0x80, v3, vm0, $0xb8;
	[tilespmem:$0x18100] =	vst v63  }
0xe9: {  	_ = 	snop  }
0xea: {  	[tilespmem:s10], [sflag:$0x1] =	stream.indirect_vreg.gather [hbm4b:s4+s3], $0x80, v3, vm1, $0xb8;
	[tilespmem:$0x18100] =	vst v63  }
0xeb: {  	v3 =	vld [tilespmem:$0xB0];
	_ =	sdelay $0x4  }
0xec: {  	v59 =	vshrl.u32 v3, $0x3  }
0xed: {  	v4 =	vmul.u32 $0x18, v59  }
0xee: {  	v3 =	vand.u32 $0x7, v3  }
0xef: {  	v3 =	vor.u32 v3, v4  }
0xf0: {  	v4 =	vperm.xlane v3, v0;
	_ =	sdelay $0x1  }
0xf1: {  	v4 =	vadd.s32 v1, v4;
	_ =	sdelay $0x1  }
0xf2: {  	v3 =	vperm.xlane v3, v2;
	_ =	sdelay $0x1  }
0xf3: {  	v3 =	vadd.s32 v1, v3  }
0xf4: {  	[tilespmem:s11], [sflag:$0x1] =	stream.indirect_vreg.gather [hbm4b:s2+s3], $0x80, v4, vm0, $0xb8;
	[tilespmem:$0x18100] =	vst v63  }
0xf5: {  	_ = 	snop  }
0xf6: {  	[tilespmem:s12], [sflag:$0x1] =	stream.indirect_vreg.gather [hbm4b:s4+s3], $0x80, v4, vm1, $0xb8;
	[tilespmem:$0x18100] =	vst v63  }
0xf7: {  	_ = 	snop  }
0xf8: {  	[tilespmem:s13], [sflag:$0x1] =	stream.indirect_vreg.gather [hbm4b:s2+s3], $0x80, v3, vm0, $0xb8;
	[tilespmem:$0x18100] =	vst v63  }
0xf9: {  	_ = 	snop  }
0xfa: {  	[tilespmem:s14], [sflag:$0x1] =	stream.indirect_vreg.gather [hbm4b:s4+s3], $0x80, v3, vm1, $0xb8;
	[tilespmem:$0x18100] =	vst v63  }
0xfb: {  	v3 =	vld [tilespmem:$0xC0];
	_ =	sdelay $0x4  }
0xfc: {  	v60 =	vshrl.u32 v3, $0x3  }
0xfd: {  	v4 =	vmul.u32 $0x18, v60  }
0xfe: {  	v3 =	vand.u32 $0x7, v3  }
0xff: {  	v3 =	vor.u32 v3, v4  }
0x100: {  	v4 =	vperm.xlane v3, v0;
	_ =	sdelay $0x1  }
0x101: {  	v4 =	vadd.s32 v1, v4;
	_ =	sdelay $0x1  }
0x102: {  	v3 =	vperm.xlane v3, v2;
	_ =	sdelay $0x1  }
0x103: {  	v3 =	vadd.s32 v1, v3  }
0x104: {  	[tilespmem:s15], [sflag:$0x1] =	stream.indirect_vreg.gather [hbm4b:s2+s3], $0x80, v4, vm0, $0xb8;
	[tilespmem:$0x18100] =	vst v63  }
0x105: {  	_ = 	snop  }
0x106: {  	[tilespmem:s16], [sflag:$0x1] =	stream.indirect_vreg.gather [hbm4b:s4+s3], $0x80, v4, vm1, $0xb8;
	[tilespmem:$0x18100] =	vst v63  }
0x107: {  	_ = 	snop  }
0x108: {  	[tilespmem:s17], [sflag:$0x1] =	stream.indirect_vreg.gather [hbm4b:s2+s3], $0x80, v3, vm0, $0xb8;
	[tilespmem:$0x18100] =	vst v63  }
0x109: {  	_ = 	snop  }
0x10a: {  	[tilespmem:s18], [sflag:$0x1] =	stream.indirect_vreg.gather [hbm4b:s4+s3], $0x80, v3, vm1, $0xb8;
	[tilespmem:$0x18100] =	vst v63  }
0x10b: {  	v3 =	vld [tilespmem:$0xD0];
	_ =	sdelay $0x4  }
0x10c: {  	v61 =	vshrl.u32 v3, $0x3  }
0x10d: {  	v4 =	vmul.u32 $0x18, v61  }
0x10e: {  	v3 =	vand.u32 $0x7, v3  }
0x10f: {  	v3 =	vor.u32 v3, v4  }
0x110: {  	v4 =	vperm.xlane v3, v0;
	_ =	sdelay $0x1  }
0x111: {  	v4 =	vadd.s32 v1, v4;
	_ =	sdelay $0x1  }
0x112: {  	v3 =	vperm.xlane v3, v2;
	_ =	sdelay $0x1  }
0x113: {  	v3 =	vadd.s32 v1, v3  }
0x114: {  	[tilespmem:s19], [sflag:$0x1] =	stream.indirect_vreg.gather [hbm4b:s2+s3], $0x80, v4, vm0, $0xb8;
	[tilespmem:$0x18100] =	vst v63  }
0x115: {  	_ = 	snop  }
0x116: {  	[tilespmem:s20], [sflag:$0x1] =	stream.indirect_vreg.gather [hbm4b:s4+s3], $0x80, v4, vm1, $0xb8;
	[tilespmem:$0x18100] =	vst v63  }
0x117: {  	_ = 	snop  }
0x118: {  	[tilespmem:s21], [sflag:$0x1] =	stream.indirect_vreg.gather [hbm4b:s2+s3], $0x80, v3, vm0, $0xb8;
	[tilespmem:$0x18100] =	vst v63  }
0x119: {  	_ = 	snop  }
0x11a: {  	[tilespmem:s22], [sflag:$0x1] =	stream.indirect_vreg.gather [hbm4b:s4+s3], $0x80, v3, vm1, $0xb8;
	[tilespmem:$0x18100] =	vst v63  }
0x11b: {  	v3 =	vld [tilespmem:$0xE0];
	_ =	sdelay $0x4  }
0x11c: {  	v62 =	vshrl.u32 v3, $0x3  }
0x11d: {  	v4 =	vmul.u32 $0x18, v62  }
0x11e: {  	v3 =	vand.u32 $0x7, v3  }
0x11f: {  	v3 =	vor.u32 v3, v4  }
0x120: {  	v4 =	vperm.xlane v3, v0;
	_ =	sdelay $0x1  }
0x121: {  	v4 =	vadd.s32 v1, v4;
	_ =	sdelay $0x1  }
0x122: {  	v3 =	vperm.xlane v3, v2;
	_ =	sdelay $0x1  }
0x123: {  	v3 =	vadd.s32 v1, v3  }
0x124: {  	[tilespmem:s23], [sflag:$0x1] =	stream.indirect_vreg.gather [hbm4b:s2+s3], $0x80, v4, vm0, $0xb8;
	[tilespmem:$0x18100] =	vst v63  }
0x125: {  	_ = 	snop  }
0x126: {  	[tilespmem:s24], [sflag:$0x1] =	stream.indirect_vreg.gather [hbm4b:s4+s3], $0x80, v4, vm1, $0xb8;
	[tilespmem:$0x18100] =	vst v63  }
0x127: {  	_ = 	snop  }
0x128: {  	[tilespmem:s25], [sflag:$0x1] =	stream.indirect_vreg.gather [hbm4b:s2+s3], $0x80, v3, vm0, $0xb8;
	[tilespmem:$0x18100] =	vst v63  }
0x129: {  	_ = 	snop  }
0x12a: {  	[tilespmem:s26], [sflag:$0x1] =	stream.indirect_vreg.gather [hbm4b:s4+s3], $0x80, v3, vm1, $0xb8;
	[tilespmem:$0x18100] =	vst v63  }
0x12b: {  	v3 =	vld [tilespmem:$0xF0];
	_ =	sdelay $0x4  }
0x12c: {  	v63 =	vshrl.u32 v3, $0x3  }
0x12d: {  	v4 =	vmul.u32 $0x18, v63  }
0x12e: {  	v3 =	vand.u32 $0x7, v3  }
0x12f: {  	v3 =	vor.u32 v3, v4  }
0x130: {  	v4 =	vperm.xlane v3, v0;
	_ =	sdelay $0x1  }
0x131: {  	v4 =	vadd.s32 v1, v4;
	_ =	sdelay $0x1  }
0x132: {  	v3 =	vperm.xlane v3, v2;
	_ =	sdelay $0x1  }
0x133: {  	v3 =	vadd.s32 v1, v3  }
0x134: {  	[tilespmem:s28], [sflag:$0x1] =	stream.indirect_vreg.gather [hbm4b:s2+s3], $0x80, v4, vm0, $0xb8;
	[tilespmem:$0x18100] =	vst v63  }
0x135: {  	_ = 	snop  }
0x136: {  	[tilespmem:s29], [sflag:$0x1] =	stream.indirect_vreg.gather [hbm4b:s4+s3], $0x80, v4, vm1, $0xb8;
	[tilespmem:$0x18100] =	vst v63  }
0x137: {  	_ = 	snop  }
0x138: {  	[tilespmem:s30], [sflag:$0x1] =	stream.indirect_vreg.gather [hbm4b:s2+s3], $0x80, v3, vm0, $0xb8;
	[tilespmem:$0x18100] =	vst v63  }
0x139: {  	_ = 	snop  }
0x13a: {  	[tilespmem:s31], [sflag:$0x1] =	stream.indirect_vreg.gather [hbm4b:s4+s3], $0x80, v3, vm1, $0xb8;
	[tilespmem:$0x18100] =	vst v63  }
0x13b: {  	_ =	swait.ge [sflag:s1], $0xC000  }
0x13c: {  	[sflag:s1] =	ssyncset.done $0x0  }
0x13d: {  	[sflag:s1] =	ssyncadd.s32 $0xFFFF4000  }
0x13e: {  	_ =	swait.ge [sflag:s1], $0xC000  }
0x13f: {  	p0 =	sne.s32 s5, $0x1;
	[sflag:s1] =	ssyncset.done $0x0  }
.Ltmp0:
0x140: {  	s8 =	rddreg [dreg:$0x5];
	[sflag:s1] =	ssyncadd.s32 $0xFFFF4000;
	(pc) =	sbr.rel @p0 .LBB2_1-.Ltmp0, $4  }
0x141: {  	[hbm4b:s8+s3] =	stream.linear.scatter [tilespmem:s7], [sflag:$0x2], $0x18000, $0x38;
	[tilespmem:$0x18100] =	vst v63  }
0x142: {  	_ =	swait.ge [sflag:s6], $0x18000  }
0x143: {  	[sflag:s6] =	ssyncset.done $0x0  }
0x144: {  	s5 =	sadd.s32 $0xFFFFFFFF, s5;
	[sflag:s6] =	ssyncadd.s32 $0xFFFE8000  }
0x145: {  	_ =	sfence.sel $0x180000  }
0x146: {  	[bflag:$0x0] =	sbarrier.arrive $0xFFFF  }
0x147: {  	_ =	strace $0x90000047  }
0x148: {  	s0 =	stileid.u32;
	[bflag:$0x2] =	sbarrier.arrive $0xFFFF  }
0x149: {  	p0 =	sne.s32 s0, $0x0;
	s0 =	rddreg [dreg:$0x3]  }
0x14a: {  	s0 =	sadd.s32 @!p0 $0x100000, s0  }
0x14b: {  	[sflag:s0] =	ssyncadd.tile.s32 @!p0 $0x1;
	_ =	shalt  }
.Lfunc_end2:
_tile_overlayer_lowered:
.L_overlay_start_2:
0x14c: {  	(tag) =	ssettag $0x2  }
0x14d: {  	s0 =	rddreg [dreg:$0x0];
	s2 =	stileid.u32  }
0x14e: {  	s1 =	rddreg [dreg:$0x1];
	p0 =	sne.s32 s2, $0x0  }
0x14f: {  	s3 =	rddreg [dreg:$0x2];
	[bflag:$0x3] =	sbarrier.arrive $0xFFFF;
	s2 =	simm.s32 @!p0 $0x1C02  }
0x150: {  	[timem:s3], [sflag:s2] =	dma.local @!p0 [hbm:s0], s1  }
0x151: {  	s0 =	simm.s32 @!p0 $0x2  }
0x152: {  	_ =	swait.ge @!p0 [sflag:s0], s1  }
0x153: {  	s1 =	ssub.s32 @!p0 $0x0, s1;
	[sflag:s0] =	ssyncset.done @!p0 $0x0  }
0x154: {  	[sflag:s0] =	ssyncadd.s32 @!p0 s1  }
0x155: {  	[bflag:$0x3] =	sbarrier.arrive $0xFFFF  }
0x156: {  	_ =	shalt  }

</sc_bundles>
